<compile_context>
chip_gen: v7x
topology: tpu7x:2x2x1
jax: 0.10.2.dev20260603
libtpu: 0.0.44.dev20260713+nightly
codegen_flags: <defaults>
</compile_context>

<pallas_src>
import functools

import jax
import jax.numpy as jnp
from jax import lax
from jax.experimental import pallas as pl
from jax.experimental.pallas import tpu as pltpu
from jax.experimental.pallas import tpu_sc as plsc


def _sc_geometry():
    try:
        info = plsc.get_sparse_core_info()
        return info.num_cores, info.num_subcores
    except Exception:
        return 2, 16


@functools.lru_cache(maxsize=None)
def _make_gather(B, V, D):
    NC, NS = _sc_geometry()
    NW = NC * NS
    assert B % NW == 0
    b_per_w = B // NW
    C = 64
    assert b_per_w % C == 0
    n_chunks = b_per_w // C
    NBUF = 2

    mesh = plsc.VectorSubcoreMesh(core_axis_name="c", subcore_axis_name="s")

    @functools.partial(
        pl.kernel,
        out_type=(
            jax.ShapeDtypeStruct((B, D), jnp.float32),
            jax.ShapeDtypeStruct((B,), jnp.float32),
        ),
        mesh=mesh,
        scratch_types=[
            pltpu.VMEM((b_per_w,), jnp.int32),
            pltpu.VMEM((NBUF, C, D), jnp.float32),
            pltpu.VMEM((b_per_w,), jnp.float32),
            pltpu.SemaphoreType.DMA,
            pltpu.SemaphoreType.DMA,
            pltpu.SemaphoreType.DMA,
        ],
    )
    def k(ids_hbm, emb_hbm, bias_hbm, out_emb, out_bias,
          idx_v, rows_v, bias_v, sem_r, sem_w, sem_b):
        wid = lax.axis_index("s") * NC + lax.axis_index("c")
        base = wid * b_per_w

        pltpu.sync_copy(ids_hbm.at[pl.ds(base, b_per_w)], idx_v)

        def gather(g, buf):
            return pltpu.make_async_copy(
                emb_hbm.at[idx_v.at[pl.ds(g * C, C)]], rows_v.at[buf], sem_r)

        def write(g, buf):
            return pltpu.make_async_copy(
                rows_v.at[buf], out_emb.at[pl.ds(base + g * C, C)], sem_w)

        for g in range(min(NBUF, n_chunks)):
            gather(g, g % NBUF).start()

        CB = 128
        for c in range(b_per_w // CB):
            pltpu.async_copy(bias_hbm.at[idx_v.at[pl.ds(c * CB, CB)]],
                             bias_v.at[pl.ds(c * CB, CB)], sem_b)
        for g in range(n_chunks):
            buf = g % NBUF
            gather(g, buf).wait()
            write(g, buf).start()
            if g + NBUF < n_chunks:
                write(g, buf).wait()
                gather(g + NBUF, buf).start()
        for c in range(b_per_w // CB):
            pltpu.make_async_copy(bias_hbm.at[idx_v.at[pl.ds(c * CB, CB)]],
                                  bias_v.at[pl.ds(c * CB, CB)], sem_b).wait()
        pltpu.async_copy(bias_v, out_bias.at[pl.ds(base, b_per_w)], sem_b)
        for g in range(max(0, n_chunks - NBUF), n_chunks):
            write(g, g % NBUF).wait()
        pltpu.make_async_copy(bias_v, out_bias.at[pl.ds(base, b_per_w)],
                              sem_b).wait()

    return k


def kernel(target_surface_forms, target_priors, input_embeddings, bias):
    B = target_surface_forms.shape[0]
    V, D = input_embeddings.shape
    ids = target_surface_forms[:, 0].astype(jnp.int32)
    gather = _make_gather(B, V, D)
    out_emb, out_bias = gather(ids, input_embeddings, bias.reshape(V))
    return (out_emb, out_bias)

# --- scband reference (transcript-rebuilt; emitter-appended) ---
"""Pipeline reference for scband-passthrough-hypernet-16707422781871 (READ-ONLY COPY).

The authoritative reference and input builder live on the scoring server;
editing this copy changes nothing except your own understanding.
"""

import jax, jax.numpy as jnp
import numpy as np

B, L = 16384, 16
V, D = 100000, 768

def setup_inputs(seed: int = 0) -> dict:
    key = jax.random.key(seed)
    k1, k2, k3, k4 = jax.random.split(key, 4)
    target_surface_forms = jax.random.randint(k1, (B, L), 0, V)
    target_priors = jax.random.normal(k2, (B,), dtype=jnp.float32)
    input_embeddings = jax.random.normal(k3, (V, D), dtype=jnp.float32) * 0.02
    bias = jax.random.normal(k4, (V, 1), dtype=jnp.float32) * 0.02
    return {
        "target_surface_forms": target_surface_forms,
        "target_priors": target_priors,
        "input_embeddings": input_embeddings,
        "bias": bias,
    }

def reference(target_surface_forms, target_priors, input_embeddings, bias):
    # PassthroughHypernet.__call__: embed the first token of each surface form.
    ids = target_surface_forms[..., 0]
    predicted_embeddings_in = jnp.take(input_embeddings, ids, axis=0)
    # has_separate_out_embeddings is False (not set in config) -> predicted_embeddings_out is None
    # hn_predict_bias is True -> bias embedding lookup, squeeze last dim
    predicted_bias = jnp.take(bias, ids, axis=0)[..., 0]
    return (predicted_embeddings_in, predicted_bias)

if __name__ == "__main__":
    import jax
    _d = setup_inputs()
    print(jax.jit(kernel)(*tuple(_d.values())))

</pallas_src>

<mosaic_0001>
#map = affine_map<(d0, d1) -> (0)>
#map1 = affine_map<(d0, d1) -> (0, 0)>
module attributes {stable_mosaic.version = 14 : i64} {
  func.func @k(%arg0: i32, %arg1: i32, %arg2: memref<16384xi32, #tpu.memory_space<hbm>>, %arg3: memref<100000x768xf32, #tpu.memory_space<hbm>>, %arg4: memref<100000xf32, #tpu.memory_space<hbm>>, %arg5: memref<16384x768xf32, #tpu.memory_space<hbm>>, %arg6: memref<16384xf32, #tpu.memory_space<hbm>>, %arg7: memref<512xi32, #tpu.memory_space<vmem>>, %arg8: memref<2x64x768xf32, #tpu.memory_space<vmem>>, %arg9: memref<512xf32, #tpu.memory_space<vmem>>, %arg10: memref<!tpu.dma_semaphore, #tpu.memory_space<semaphore_mem>>, %arg11: memref<!tpu.dma_semaphore, #tpu.memory_space<semaphore_mem>>, %arg12: memref<!tpu.dma_semaphore, #tpu.memory_space<semaphore_mem>>) attributes {dimension_semantics = [#tpu.dimension_semantics<core_parallel>, #tpu.dimension_semantics<subcore_parallel>], iteration_bounds = array<i64: 2, 16>, scalar_prefetch = 0 : i64, scratch_operands = 6 : i64, tpu.core_type = #tpu.core_type<sc_vector_subcore>, window_params = [{transform_indices = #map}, {transform_indices = #map1}, {transform_indices = #map}, {transform_indices = #map1}, {transform_indices = #map}]} {
    %mul3A = arith.constant 2 : i32
    %mul3A_0 = arith.muli %arg1, %mul3A : i32
    %add3A = arith.addi %mul3A_0, %arg0 : i32
    %mul3A_1 = arith.constant 512 : i32
    %mul3A_2 = arith.muli %add3A, %mul3A_1 : i32
    "tpu.region"() ({
      %run_scoped3A = tpu.sem_alloc : memref<!tpu.dma_semaphore, #tpu.memory_space<semaphore_mem>>
      %dma_start3A_453 = tpu.memref_slice %arg2[%mul3A_2] : memref<16384xi32, #tpu.memory_space<hbm>> -> memref<512xi32, #tpu.memory_space<hbm>>
      %dma_start3A_454 = tpu.memref_slice %arg2[%mul3A_2] : memref<16384xi32, #tpu.memory_space<hbm>> -> memref<512xi32, #tpu.memory_space<hbm>>
      tpu.enqueue_dma source(%dma_start3A_454 : memref<512xi32, #tpu.memory_space<hbm>>) target(%arg7 : memref<512xi32, #tpu.memory_space<vmem>>) target_semaphore(%run_scoped3A : memref<!tpu.dma_semaphore, #tpu.memory_space<semaphore_mem>>)
      %dma_wait3A_455 = tpu.memref_slice %arg2[%mul3A_2] : memref<16384xi32, #tpu.memory_space<hbm>> -> memref<512xi32, #tpu.memory_space<hbm>>
      %dma_wait3A_456 = tpu.memref_slice %arg2[%mul3A_2] : memref<16384xi32, #tpu.memory_space<hbm>> -> memref<512xi32, #tpu.memory_space<hbm>>
      tpu.wait_dma2 semaphore(%run_scoped3A : memref<!tpu.dma_semaphore, #tpu.memory_space<semaphore_mem>>) src(%dma_wait3A_456 : memref<512xi32, #tpu.memory_space<hbm>>) dst(%arg7 : memref<512xi32, #tpu.memory_space<vmem>>)
      tpu.yield
    }) : () -> ()
    %dma_start3A = arith.constant 0 : i32
    %dma_start3A_3 = arith.constant 0 : i32
    %dma_start3A_4 = arith.constant 0 : i32
    %dma_start3A_5 = tpu.memref_slice %arg8[%dma_start3A, %dma_start3A_3, %dma_start3A_4] : memref<2x64x768xf32, #tpu.memory_space<vmem>> -> memref<1x64x768xf32, #tpu.memory_space<vmem>>
    %dma_start3A_6 = tpu.memref_squeeze %dma_start3A_5 : memref<1x64x768xf32, #tpu.memory_space<vmem>> -> memref<64x768xf32, #tpu.memory_space<vmem>>
    %dma_start3A_7 = arith.constant 0 : i32
    %dma_start3A_8 = tpu.memref_slice %arg7[%dma_start3A_7] : memref<512xi32, #tpu.memory_space<vmem>> -> memref<64xi32, #tpu.memory_space<vmem>>
    %dma_start3A_9 = arith.constant 0 : i32
    %dma_start3A_10 = arith.constant 0 : i32
    %dma_start3A_11 = tpu.memref_slice %arg3[%dma_start3A_9, %dma_start3A_10] : memref<100000x768xf32, #tpu.memory_space<hbm>> -> memref<100000x768xf32, #tpu.memory_space<hbm>>
    tpu.enqueue_indirect_dma source(%dma_start3A_11 : memref<100000x768xf32, #tpu.memory_space<hbm>>) target(%dma_start3A_6 : memref<64x768xf32, #tpu.memory_space<vmem>>) offsets(%dma_start3A_8 : memref<64xi32, #tpu.memory_space<vmem>>) semaphore(%arg10 : memref<!tpu.dma_semaphore, #tpu.memory_space<semaphore_mem>>)
    %dma_start3A_12 = arith.constant 1 : i32
    %dma_start3A_13 = arith.constant 0 : i32
    %dma_start3A_14 = arith.constant 0 : i32
    %dma_start3A_15 = tpu.memref_slice %arg8[%dma_start3A_12, %dma_start3A_13, %dma_start3A_14] : memref<2x64x768xf32, #tpu.memory_space<vmem>> -> memref<1x64x768xf32, #tpu.memory_space<vmem>>
    %dma_start3A_16 = tpu.memref_squeeze %dma_start3A_15 : memref<1x64x768xf32, #tpu.memory_space<vmem>> -> memref<64x768xf32, #tpu.memory_space<vmem>>
    %dma_start3A_17 = arith.constant 64 : i32
    %dma_start3A_18 = tpu.memref_slice %arg7[%dma_start3A_17] : memref<512xi32, #tpu.memory_space<vmem>> -> memref<64xi32, #tpu.memory_space<vmem>>
    %dma_start3A_19 = arith.constant 0 : i32
    %dma_start3A_20 = arith.constant 0 : i32
    %dma_start3A_21 = tpu.memref_slice %arg3[%dma_start3A_19, %dma_start3A_20] : memref<100000x768xf32, #tpu.memory_space<hbm>> -> memref<100000x768xf32, #tpu.memory_space<hbm>>
    tpu.enqueue_indirect_dma source(%dma_start3A_21 : memref<100000x768xf32, #tpu.memory_space<hbm>>) target(%dma_start3A_16 : memref<64x768xf32, #tpu.memory_space<vmem>>) offsets(%dma_start3A_18 : memref<64xi32, #tpu.memory_space<vmem>>) semaphore(%arg10 : memref<!tpu.dma_semaphore, #tpu.memory_space<semaphore_mem>>)
    %dma_start3A_22 = arith.constant 0 : i32
    %dma_start3A_23 = tpu.memref_slice %arg9[%dma_start3A_22] : memref<512xf32, #tpu.memory_space<vmem>> -> memref<128xf32, #tpu.memory_space<vmem>>
    %dma_start3A_24 = arith.constant 0 : i32
    %dma_start3A_25 = tpu.memref_slice %arg7[%dma_start3A_24] : memref<512xi32, #tpu.memory_space<vmem>> -> memref<128xi32, #tpu.memory_space<vmem>>
    %dma_start3A_26 = arith.constant 0 : i32
    %dma_start3A_27 = tpu.memref_slice %arg4[%dma_start3A_26] : memref<100000xf32, #tpu.memory_space<hbm>> -> memref<100000xf32, #tpu.memory_space<hbm>>
    tpu.enqueue_indirect_dma source(%dma_start3A_27 : memref<100000xf32, #tpu.memory_space<hbm>>) target(%dma_start3A_23 : memref<128xf32, #tpu.memory_space<vmem>>) offsets(%dma_start3A_25 : memref<128xi32, #tpu.memory_space<vmem>>) semaphore(%arg12 : memref<!tpu.dma_semaphore, #tpu.memory_space<semaphore_mem>>)
    %dma_start3A_28 = arith.constant 128 : i32
    %dma_start3A_29 = tpu.memref_slice %arg9[%dma_start3A_28] : memref<512xf32, #tpu.memory_space<vmem>> -> memref<128xf32, #tpu.memory_space<vmem>>
    %dma_start3A_30 = arith.constant 128 : i32
    %dma_start3A_31 = tpu.memref_slice %arg7[%dma_start3A_30] : memref<512xi32, #tpu.memory_space<vmem>> -> memref<128xi32, #tpu.memory_space<vmem>>
    %dma_start3A_32 = arith.constant 0 : i32
    %dma_start3A_33 = tpu.memref_slice %arg4[%dma_start3A_32] : memref<100000xf32, #tpu.memory_space<hbm>> -> memref<100000xf32, #tpu.memory_space<hbm>>
    tpu.enqueue_indirect_dma source(%dma_start3A_33 : memref<100000xf32, #tpu.memory_space<hbm>>) target(%dma_start3A_29 : memref<128xf32, #tpu.memory_space<vmem>>) offsets(%dma_start3A_31 : memref<128xi32, #tpu.memory_space<vmem>>) semaphore(%arg12 : memref<!tpu.dma_semaphore, #tpu.memory_space<semaphore_mem>>)
    %dma_start3A_34 = arith.constant 256 : i32
    %dma_start3A_35 = tpu.memref_slice %arg9[%dma_start3A_34] : memref<512xf32, #tpu.memory_space<vmem>> -> memref<128xf32, #tpu.memory_space<vmem>>
    %dma_start3A_36 = arith.constant 256 : i32
    %dma_start3A_37 = tpu.memref_slice %arg7[%dma_start3A_36] : memref<512xi32, #tpu.memory_space<vmem>> -> memref<128xi32, #tpu.memory_space<vmem>>
    %dma_start3A_38 = arith.constant 0 : i32
    %dma_start3A_39 = tpu.memref_slice %arg4[%dma_start3A_38] : memref<100000xf32, #tpu.memory_space<hbm>> -> memref<100000xf32, #tpu.memory_space<hbm>>
    tpu.enqueue_indirect_dma source(%dma_start3A_39 : memref<100000xf32, #tpu.memory_space<hbm>>) target(%dma_start3A_35 : memref<128xf32, #tpu.memory_space<vmem>>) offsets(%dma_start3A_37 : memref<128xi32, #tpu.memory_space<vmem>>) semaphore(%arg12 : memref<!tpu.dma_semaphore, #tpu.memory_space<semaphore_mem>>)
    %dma_start3A_40 = arith.constant 384 : i32
    %dma_start3A_41 = tpu.memref_slice %arg9[%dma_start3A_40] : memref<512xf32, #tpu.memory_space<vmem>> -> memref<128xf32, #tpu.memory_space<vmem>>
    %dma_start3A_42 = arith.constant 384 : i32
    %dma_start3A_43 = tpu.memref_slice %arg7[%dma_start3A_42] : memref<512xi32, #tpu.memory_space<vmem>> -> memref<128xi32, #tpu.memory_space<vmem>>
    %dma_start3A_44 = arith.constant 0 : i32
    %dma_start3A_45 = tpu.memref_slice %arg4[%dma_start3A_44] : memref<100000xf32, #tpu.memory_space<hbm>> -> memref<100000xf32, #tpu.memory_space<hbm>>
    tpu.enqueue_indirect_dma source(%dma_start3A_45 : memref<100000xf32, #tpu.memory_space<hbm>>) target(%dma_start3A_41 : memref<128xf32, #tpu.memory_space<vmem>>) offsets(%dma_start3A_43 : memref<128xi32, #tpu.memory_space<vmem>>) semaphore(%arg12 : memref<!tpu.dma_semaphore, #tpu.memory_space<semaphore_mem>>)
    %dma_wait3A = arith.constant 0 : i32
    %dma_wait3A_46 = arith.constant 0 : i32
    %dma_wait3A_47 = arith.constant 0 : i32
    %dma_wait3A_48 = tpu.memref_slice %arg8[%dma_wait3A, %dma_wait3A_46, %dma_wait3A_47] : memref<2x64x768xf32, #tpu.memory_space<vmem>> -> memref<1x64x768xf32, #tpu.memory_space<vmem>>
    %dma_wait3A_49 = tpu.memref_squeeze %dma_wait3A_48 : memref<1x64x768xf32, #tpu.memory_space<vmem>> -> memref<64x768xf32, #tpu.memory_space<vmem>>
    %dma_wait3A_50 = arith.constant 0 : i32
    %dma_wait3A_51 = tpu.memref_slice %arg7[%dma_wait3A_50] : memref<512xi32, #tpu.memory_space<vmem>> -> memref<64xi32, #tpu.memory_space<vmem>>
    %dma_wait3A_52 = arith.constant 0 : i32
    %dma_wait3A_53 = arith.constant 0 : i32
    %dma_wait3A_54 = tpu.memref_slice %arg3[%dma_wait3A_52, %dma_wait3A_53] : memref<100000x768xf32, #tpu.memory_space<hbm>> -> memref<100000x768xf32, #tpu.memory_space<hbm>>
    tpu.wait_indirect_dma semaphore(%arg10 : memref<!tpu.dma_semaphore, #tpu.memory_space<semaphore_mem>>) src(%dma_wait3A_54 : memref<100000x768xf32, #tpu.memory_space<hbm>>) dst(%dma_wait3A_49 : memref<64x768xf32, #tpu.memory_space<vmem>>)
    %add3A_55 = arith.constant 0 : i32
    %add3A_56 = arith.addi %mul3A_2, %add3A_55 : i32
    %dma_start3A_57 = arith.constant 0 : i32
    %dma_start3A_58 = arith.constant 0 : i32
    %dma_start3A_59 = arith.constant 0 : i32
    %dma_start3A_60 = tpu.memref_slice %arg8[%dma_start3A_57, %dma_start3A_58, %dma_start3A_59] : memref<2x64x768xf32, #tpu.memory_space<vmem>> -> memref<1x64x768xf32, #tpu.memory_space<vmem>>
    %dma_start3A_61 = tpu.memref_squeeze %dma_start3A_60 : memref<1x64x768xf32, #tpu.memory_space<vmem>> -> memref<64x768xf32, #tpu.memory_space<vmem>>
    %dma_start3A_62 = arith.constant 0 : i32
    %dma_start3A_63 = tpu.memref_slice %arg5[%add3A_56, %dma_start3A_62] : memref<16384x768xf32, #tpu.memory_space<hbm>> -> memref<64x768xf32, #tpu.memory_space<hbm>>
    %dma_start3A_64 = arith.constant 0 : i32
    %dma_start3A_65 = tpu.memref_slice %arg5[%add3A_56, %dma_start3A_64] : memref<16384x768xf32, #tpu.memory_space<hbm>> -> memref<64x768xf32, #tpu.memory_space<hbm>>
    %dma_start3A_66 = arith.constant 0 : i32
    %dma_start3A_67 = arith.constant 0 : i32
    %dma_start3A_68 = tpu.memref_slice %arg8[%dma_start3A_57, %dma_start3A_66, %dma_start3A_67] : memref<2x64x768xf32, #tpu.memory_space<vmem>> -> memref<1x64x768xf32, #tpu.memory_space<vmem>>
    %dma_start3A_69 = tpu.memref_squeeze %dma_start3A_68 : memref<1x64x768xf32, #tpu.memory_space<vmem>> -> memref<64x768xf32, #tpu.memory_space<vmem>>
    tpu.enqueue_dma source(%dma_start3A_69 : memref<64x768xf32, #tpu.memory_space<vmem>>) target(%dma_start3A_65 : memref<64x768xf32, #tpu.memory_space<hbm>>) target_semaphore(%arg11 : memref<!tpu.dma_semaphore, #tpu.memory_space<semaphore_mem>>)
    %add3A_70 = arith.constant 0 : i32
    %add3A_71 = arith.addi %mul3A_2, %add3A_70 : i32
    %dma_wait3A_72 = arith.constant 0 : i32
    %dma_wait3A_73 = arith.constant 0 : i32
    %dma_wait3A_74 = arith.constant 0 : i32
    %dma_wait3A_75 = tpu.memref_slice %arg8[%dma_wait3A_72, %dma_wait3A_73, %dma_wait3A_74] : memref<2x64x768xf32, #tpu.memory_space<vmem>> -> memref<1x64x768xf32, #tpu.memory_space<vmem>>
    %dma_wait3A_76 = tpu.memref_squeeze %dma_wait3A_75 : memref<1x64x768xf32, #tpu.memory_space<vmem>> -> memref<64x768xf32, #tpu.memory_space<vmem>>
    %dma_wait3A_77 = arith.constant 0 : i32
    %dma_wait3A_78 = tpu.memref_slice %arg5[%add3A_71, %dma_wait3A_77] : memref<16384x768xf32, #tpu.memory_space<hbm>> -> memref<64x768xf32, #tpu.memory_space<hbm>>
    %dma_wait3A_79 = arith.constant 0 : i32
    %dma_wait3A_80 = tpu.memref_slice %arg5[%add3A_71, %dma_wait3A_79] : memref<16384x768xf32, #tpu.memory_space<hbm>> -> memref<64x768xf32, #tpu.memory_space<hbm>>
    %dma_wait3A_81 = arith.constant 0 : i32
    %dma_wait3A_82 = arith.constant 0 : i32
    %dma_wait3A_83 = tpu.memref_slice %arg8[%dma_wait3A_72, %dma_wait3A_81, %dma_wait3A_82] : memref<2x64x768xf32, #tpu.memory_space<vmem>> -> memref<1x64x768xf32, #tpu.memory_space<vmem>>
    %dma_wait3A_84 = tpu.memref_squeeze %dma_wait3A_83 : memref<1x64x768xf32, #tpu.memory_space<vmem>> -> memref<64x768xf32, #tpu.memory_space<vmem>>
    tpu.wait_dma2 semaphore(%arg11 : memref<!tpu.dma_semaphore, #tpu.memory_space<semaphore_mem>>) src(%dma_wait3A_84 : memref<64x768xf32, #tpu.memory_space<vmem>>) dst(%dma_wait3A_80 : memref<64x768xf32, #tpu.memory_space<hbm>>)
    %dma_start3A_85 = arith.constant 0 : i32
    %dma_start3A_86 = arith.constant 0 : i32
    %dma_start3A_87 = arith.constant 0 : i32
    %dma_start3A_88 = tpu.memref_slice %arg8[%dma_start3A_85, %dma_start3A_86, %dma_start3A_87] : memref<2x64x768xf32, #tpu.memory_space<vmem>> -> memref<1x64x768xf32, #tpu.memory_space<vmem>>
    %dma_start3A_89 = tpu.memref_squeeze %dma_start3A_88 : memref<1x64x768xf32, #tpu.memory_space<vmem>> -> memref<64x768xf32, #tpu.memory_space<vmem>>
    %dma_start3A_90 = arith.constant 128 : i32
    %dma_start3A_91 = tpu.memref_slice %arg7[%dma_start3A_90] : memref<512xi32, #tpu.memory_space<vmem>> -> memref<64xi32, #tpu.memory_space<vmem>>
    %dma_start3A_92 = arith.constant 0 : i32
    %dma_start3A_93 = arith.constant 0 : i32
    %dma_start3A_94 = tpu.memref_slice %arg3[%dma_start3A_92, %dma_start3A_93] : memref<100000x768xf32, #tpu.memory_space<hbm>> -> memref<100000x768xf32, #tpu.memory_space<hbm>>
    tpu.enqueue_indirect_dma source(%dma_start3A_94 : memref<100000x768xf32, #tpu.memory_space<hbm>>) target(%dma_start3A_89 : memref<64x768xf32, #tpu.memory_space<vmem>>) offsets(%dma_start3A_91 : memref<64xi32, #tpu.memory_space<vmem>>) semaphore(%arg10 : memref<!tpu.dma_semaphore, #tpu.memory_space<semaphore_mem>>)
    %dma_wait3A_95 = arith.constant 1 : i32
    %dma_wait3A_96 = arith.constant 0 : i32
    %dma_wait3A_97 = arith.constant 0 : i32
    %dma_wait3A_98 = tpu.memref_slice %arg8[%dma_wait3A_95, %dma_wait3A_96, %dma_wait3A_97] : memref<2x64x768xf32, #tpu.memory_space<vmem>> -> memref<1x64x768xf32, #tpu.memory_space<vmem>>
    %dma_wait3A_99 = tpu.memref_squeeze %dma_wait3A_98 : memref<1x64x768xf32, #tpu.memory_space<vmem>> -> memref<64x768xf32, #tpu.memory_space<vmem>>
    %dma_wait3A_100 = arith.constant 64 : i32
    %dma_wait3A_101 = tpu.memref_slice %arg7[%dma_wait3A_100] : memref<512xi32, #tpu.memory_space<vmem>> -> memref<64xi32, #tpu.memory_space<vmem>>
    %dma_wait3A_102 = arith.constant 0 : i32
    %dma_wait3A_103 = arith.constant 0 : i32
    %dma_wait3A_104 = tpu.memref_slice %arg3[%dma_wait3A_102, %dma_wait3A_103] : memref<100000x768xf32, #tpu.memory_space<hbm>> -> memref<100000x768xf32, #tpu.memory_space<hbm>>
    tpu.wait_indirect_dma semaphore(%arg10 : memref<!tpu.dma_semaphore, #tpu.memory_space<semaphore_mem>>) src(%dma_wait3A_104 : memref<100000x768xf32, #tpu.memory_space<hbm>>) dst(%dma_wait3A_99 : memref<64x768xf32, #tpu.memory_space<vmem>>)
    %add3A_105 = arith.constant 64 : i32
    %add3A_106 = arith.addi %mul3A_2, %add3A_105 : i32
    %dma_start3A_107 = arith.constant 1 : i32
    %dma_start3A_108 = arith.constant 0 : i32
    %dma_start3A_109 = arith.constant 0 : i32
    %dma_start3A_110 = tpu.memref_slice %arg8[%dma_start3A_107, %dma_start3A_108, %dma_start3A_109] : memref<2x64x768xf32, #tpu.memory_space<vmem>> -> memref<1x64x768xf32, #tpu.memory_space<vmem>>
    %dma_start3A_111 = tpu.memref_squeeze %dma_start3A_110 : memref<1x64x768xf32, #tpu.memory_space<vmem>> -> memref<64x768xf32, #tpu.memory_space<vmem>>
    %dma_start3A_112 = arith.constant 0 : i32
    %dma_start3A_113 = tpu.memref_slice %arg5[%add3A_106, %dma_start3A_112] : memref<16384x768xf32, #tpu.memory_space<hbm>> -> memref<64x768xf32, #tpu.memory_space<hbm>>
    %dma_start3A_114 = arith.constant 0 : i32
    %dma_start3A_115 = tpu.memref_slice %arg5[%add3A_106, %dma_start3A_114] : memref<16384x768xf32, #tpu.memory_space<hbm>> -> memref<64x768xf32, #tpu.memory_space<hbm>>
    %dma_start3A_116 = arith.constant 0 : i32
    %dma_start3A_117 = arith.constant 0 : i32
    %dma_start3A_118 = tpu.memref_slice %arg8[%dma_start3A_107, %dma_start3A_116, %dma_start3A_117] : memref<2x64x768xf32, #tpu.memory_space<vmem>> -> memref<1x64x768xf32, #tpu.memory_space<vmem>>
    %dma_start3A_119 = tpu.memref_squeeze %dma_start3A_118 : memref<1x64x768xf32, #tpu.memory_space<vmem>> -> memref<64x768xf32, #tpu.memory_space<vmem>>
    tpu.enqueue_dma source(%dma_start3A_119 : memref<64x768xf32, #tpu.memory_space<vmem>>) target(%dma_start3A_115 : memref<64x768xf32, #tpu.memory_space<hbm>>) target_semaphore(%arg11 : memref<!tpu.dma_semaphore, #tpu.memory_space<semaphore_mem>>)
    %add3A_120 = arith.constant 64 : i32
    %add3A_121 = arith.addi %mul3A_2, %add3A_120 : i32
    %dma_wait3A_122 = arith.constant 1 : i32
    %dma_wait3A_123 = arith.constant 0 : i32
    %dma_wait3A_124 = arith.constant 0 : i32
    %dma_wait3A_125 = tpu.memref_slice %arg8[%dma_wait3A_122, %dma_wait3A_123, %dma_wait3A_124] : memref<2x64x768xf32, #tpu.memory_space<vmem>> -> memref<1x64x768xf32, #tpu.memory_space<vmem>>
    %dma_wait3A_126 = tpu.memref_squeeze %dma_wait3A_125 : memref<1x64x768xf32, #tpu.memory_space<vmem>> -> memref<64x768xf32, #tpu.memory_space<vmem>>
    %dma_wait3A_127 = arith.constant 0 : i32
    %dma_wait3A_128 = tpu.memref_slice %arg5[%add3A_121, %dma_wait3A_127] : memref<16384x768xf32, #tpu.memory_space<hbm>> -> memref<64x768xf32, #tpu.memory_space<hbm>>
    %dma_wait3A_129 = arith.constant 0 : i32
    %dma_wait3A_130 = tpu.memref_slice %arg5[%add3A_121, %dma_wait3A_129] : memref<16384x768xf32, #tpu.memory_space<hbm>> -> memref<64x768xf32, #tpu.memory_space<hbm>>
    %dma_wait3A_131 = arith.constant 0 : i32
    %dma_wait3A_132 = arith.constant 0 : i32
    %dma_wait3A_133 = tpu.memref_slice %arg8[%dma_wait3A_122, %dma_wait3A_131, %dma_wait3A_132] : memref<2x64x768xf32, #tpu.memory_space<vmem>> -> memref<1x64x768xf32, #tpu.memory_space<vmem>>
    %dma_wait3A_134 = tpu.memref_squeeze %dma_wait3A_133 : memref<1x64x768xf32, #tpu.memory_space<vmem>> -> memref<64x768xf32, #tpu.memory_space<vmem>>
    tpu.wait_dma2 semaphore(%arg11 : memref<!tpu.dma_semaphore, #tpu.memory_space<semaphore_mem>>) src(%dma_wait3A_134 : memref<64x768xf32, #tpu.memory_space<vmem>>) dst(%dma_wait3A_130 : memref<64x768xf32, #tpu.memory_space<hbm>>)
    %dma_start3A_135 = arith.constant 1 : i32
    %dma_start3A_136 = arith.constant 0 : i32
    %dma_start3A_137 = arith.constant 0 : i32
    %dma_start3A_138 = tpu.memref_slice %arg8[%dma_start3A_135, %dma_start3A_136, %dma_start3A_137] : memref<2x64x768xf32, #tpu.memory_space<vmem>> -> memref<1x64x768xf32, #tpu.memory_space<vmem>>
    %dma_start3A_139 = tpu.memref_squeeze %dma_start3A_138 : memref<1x64x768xf32, #tpu.memory_space<vmem>> -> memref<64x768xf32, #tpu.memory_space<vmem>>
    %dma_start3A_140 = arith.constant 192 : i32
    %dma_start3A_141 = tpu.memref_slice %arg7[%dma_start3A_140] : memref<512xi32, #tpu.memory_space<vmem>> -> memref<64xi32, #tpu.memory_space<vmem>>
    %dma_start3A_142 = arith.constant 0 : i32
    %dma_start3A_143 = arith.constant 0 : i32
    %dma_start3A_144 = tpu.memref_slice %arg3[%dma_start3A_142, %dma_start3A_143] : memref<100000x768xf32, #tpu.memory_space<hbm>> -> memref<100000x768xf32, #tpu.memory_space<hbm>>
    tpu.enqueue_indirect_dma source(%dma_start3A_144 : memref<100000x768xf32, #tpu.memory_space<hbm>>) target(%dma_start3A_139 : memref<64x768xf32, #tpu.memory_space<vmem>>) offsets(%dma_start3A_141 : memref<64xi32, #tpu.memory_space<vmem>>) semaphore(%arg10 : memref<!tpu.dma_semaphore, #tpu.memory_space<semaphore_mem>>)
    %dma_wait3A_145 = arith.constant 0 : i32
    %dma_wait3A_146 = arith.constant 0 : i32
    %dma_wait3A_147 = arith.constant 0 : i32
    %dma_wait3A_148 = tpu.memref_slice %arg8[%dma_wait3A_145, %dma_wait3A_146, %dma_wait3A_147] : memref<2x64x768xf32, #tpu.memory_space<vmem>> -> memref<1x64x768xf32, #tpu.memory_space<vmem>>
    %dma_wait3A_149 = tpu.memref_squeeze %dma_wait3A_148 : memref<1x64x768xf32, #tpu.memory_space<vmem>> -> memref<64x768xf32, #tpu.memory_space<vmem>>
    %dma_wait3A_150 = arith.constant 128 : i32
    %dma_wait3A_151 = tpu.memref_slice %arg7[%dma_wait3A_150] : memref<512xi32, #tpu.memory_space<vmem>> -> memref<64xi32, #tpu.memory_space<vmem>>
    %dma_wait3A_152 = arith.constant 0 : i32
    %dma_wait3A_153 = arith.constant 0 : i32
    %dma_wait3A_154 = tpu.memref_slice %arg3[%dma_wait3A_152, %dma_wait3A_153] : memref<100000x768xf32, #tpu.memory_space<hbm>> -> memref<100000x768xf32, #tpu.memory_space<hbm>>
    tpu.wait_indirect_dma semaphore(%arg10 : memref<!tpu.dma_semaphore, #tpu.memory_space<semaphore_mem>>) src(%dma_wait3A_154 : memref<100000x768xf32, #tpu.memory_space<hbm>>) dst(%dma_wait3A_149 : memref<64x768xf32, #tpu.memory_space<vmem>>)
    %add3A_155 = arith.constant 128 : i32
    %add3A_156 = arith.addi %mul3A_2, %add3A_155 : i32
    %dma_start3A_157 = arith.constant 0 : i32
    %dma_start3A_158 = arith.constant 0 : i32
    %dma_start3A_159 = arith.constant 0 : i32
    %dma_start3A_160 = tpu.memref_slice %arg8[%dma_start3A_157, %dma_start3A_158, %dma_start3A_159] : memref<2x64x768xf32, #tpu.memory_space<vmem>> -> memref<1x64x768xf32, #tpu.memory_space<vmem>>
    %dma_start3A_161 = tpu.memref_squeeze %dma_start3A_160 : memref<1x64x768xf32, #tpu.memory_space<vmem>> -> memref<64x768xf32, #tpu.memory_space<vmem>>
    %dma_start3A_162 = arith.constant 0 : i32
    %dma_start3A_163 = tpu.memref_slice %arg5[%add3A_156, %dma_start3A_162] : memref<16384x768xf32, #tpu.memory_space<hbm>> -> memref<64x768xf32, #tpu.memory_space<hbm>>
    %dma_start3A_164 = arith.constant 0 : i32
    %dma_start3A_165 = tpu.memref_slice %arg5[%add3A_156, %dma_start3A_164] : memref<16384x768xf32, #tpu.memory_space<hbm>> -> memref<64x768xf32, #tpu.memory_space<hbm>>
    %dma_start3A_166 = arith.constant 0 : i32
    %dma_start3A_167 = arith.constant 0 : i32
    %dma_start3A_168 = tpu.memref_slice %arg8[%dma_start3A_157, %dma_start3A_166, %dma_start3A_167] : memref<2x64x768xf32, #tpu.memory_space<vmem>> -> memref<1x64x768xf32, #tpu.memory_space<vmem>>
    %dma_start3A_169 = tpu.memref_squeeze %dma_start3A_168 : memref<1x64x768xf32, #tpu.memory_space<vmem>> -> memref<64x768xf32, #tpu.memory_space<vmem>>
    tpu.enqueue_dma source(%dma_start3A_169 : memref<64x768xf32, #tpu.memory_space<vmem>>) target(%dma_start3A_165 : memref<64x768xf32, #tpu.memory_space<hbm>>) target_semaphore(%arg11 : memref<!tpu.dma_semaphore, #tpu.memory_space<semaphore_mem>>)
    %add3A_170 = arith.constant 128 : i32
    %add3A_171 = arith.addi %mul3A_2, %add3A_170 : i32
    %dma_wait3A_172 = arith.constant 0 : i32
    %dma_wait3A_173 = arith.constant 0 : i32
    %dma_wait3A_174 = arith.constant 0 : i32
    %dma_wait3A_175 = tpu.memref_slice %arg8[%dma_wait3A_172, %dma_wait3A_173, %dma_wait3A_174] : memref<2x64x768xf32, #tpu.memory_space<vmem>> -> memref<1x64x768xf32, #tpu.memory_space<vmem>>
    %dma_wait3A_176 = tpu.memref_squeeze %dma_wait3A_175 : memref<1x64x768xf32, #tpu.memory_space<vmem>> -> memref<64x768xf32, #tpu.memory_space<vmem>>
    %dma_wait3A_177 = arith.constant 0 : i32
    %dma_wait3A_178 = tpu.memref_slice %arg5[%add3A_171, %dma_wait3A_177] : memref<16384x768xf32, #tpu.memory_space<hbm>> -> memref<64x768xf32, #tpu.memory_space<hbm>>
    %dma_wait3A_179 = arith.constant 0 : i32
    %dma_wait3A_180 = tpu.memref_slice %arg5[%add3A_171, %dma_wait3A_179] : memref<16384x768xf32, #tpu.memory_space<hbm>> -> memref<64x768xf32, #tpu.memory_space<hbm>>
    %dma_wait3A_181 = arith.constant 0 : i32
    %dma_wait3A_182 = arith.constant 0 : i32
    %dma_wait3A_183 = tpu.memref_slice %arg8[%dma_wait3A_172, %dma_wait3A_181, %dma_wait3A_182] : memref<2x64x768xf32, #tpu.memory_space<vmem>> -> memref<1x64x768xf32, #tpu.memory_space<vmem>>
    %dma_wait3A_184 = tpu.memref_squeeze %dma_wait3A_183 : memref<1x64x768xf32, #tpu.memory_space<vmem>> -> memref<64x768xf32, #tpu.memory_space<vmem>>
    tpu.wait_dma2 semaphore(%arg11 : memref<!tpu.dma_semaphore, #tpu.memory_space<semaphore_mem>>) src(%dma_wait3A_184 : memref<64x768xf32, #tpu.memory_space<vmem>>) dst(%dma_wait3A_180 : memref<64x768xf32, #tpu.memory_space<hbm>>)
    %dma_start3A_185 = arith.constant 0 : i32
    %dma_start3A_186 = arith.constant 0 : i32
    %dma_start3A_187 = arith.constant 0 : i32
    %dma_start3A_188 = tpu.memref_slice %arg8[%dma_start3A_185, %dma_start3A_186, %dma_start3A_187] : memref<2x64x768xf32, #tpu.memory_space<vmem>> -> memref<1x64x768xf32, #tpu.memory_space<vmem>>
    %dma_start3A_189 = tpu.memref_squeeze %dma_start3A_188 : memref<1x64x768xf32, #tpu.memory_space<vmem>> -> memref<64x768xf32, #tpu.memory_space<vmem>>
    %dma_start3A_190 = arith.constant 256 : i32
    %dma_start3A_191 = tpu.memref_slice %arg7[%dma_start3A_190] : memref<512xi32, #tpu.memory_space<vmem>> -> memref<64xi32, #tpu.memory_space<vmem>>
    %dma_start3A_192 = arith.constant 0 : i32
    %dma_start3A_193 = arith.constant 0 : i32
    %dma_start3A_194 = tpu.memref_slice %arg3[%dma_start3A_192, %dma_start3A_193] : memref<100000x768xf32, #tpu.memory_space<hbm>> -> memref<100000x768xf32, #tpu.memory_space<hbm>>
    tpu.enqueue_indirect_dma source(%dma_start3A_194 : memref<100000x768xf32, #tpu.memory_space<hbm>>) target(%dma_start3A_189 : memref<64x768xf32, #tpu.memory_space<vmem>>) offsets(%dma_start3A_191 : memref<64xi32, #tpu.memory_space<vmem>>) semaphore(%arg10 : memref<!tpu.dma_semaphore, #tpu.memory_space<semaphore_mem>>)
    %dma_wait3A_195 = arith.constant 1 : i32
    %dma_wait3A_196 = arith.constant 0 : i32
    %dma_wait3A_197 = arith.constant 0 : i32
    %dma_wait3A_198 = tpu.memref_slice %arg8[%dma_wait3A_195, %dma_wait3A_196, %dma_wait3A_197] : memref<2x64x768xf32, #tpu.memory_space<vmem>> -> memref<1x64x768xf32, #tpu.memory_space<vmem>>
    %dma_wait3A_199 = tpu.memref_squeeze %dma_wait3A_198 : memref<1x64x768xf32, #tpu.memory_space<vmem>> -> memref<64x768xf32, #tpu.memory_space<vmem>>
    %dma_wait3A_200 = arith.constant 192 : i32
    %dma_wait3A_201 = tpu.memref_slice %arg7[%dma_wait3A_200] : memref<512xi32, #tpu.memory_space<vmem>> -> memref<64xi32, #tpu.memory_space<vmem>>
    %dma_wait3A_202 = arith.constant 0 : i32
    %dma_wait3A_203 = arith.constant 0 : i32
    %dma_wait3A_204 = tpu.memref_slice %arg3[%dma_wait3A_202, %dma_wait3A_203] : memref<100000x768xf32, #tpu.memory_space<hbm>> -> memref<100000x768xf32, #tpu.memory_space<hbm>>
    tpu.wait_indirect_dma semaphore(%arg10 : memref<!tpu.dma_semaphore, #tpu.memory_space<semaphore_mem>>) src(%dma_wait3A_204 : memref<100000x768xf32, #tpu.memory_space<hbm>>) dst(%dma_wait3A_199 : memref<64x768xf32, #tpu.memory_space<vmem>>)
    %add3A_205 = arith.constant 192 : i32
    %add3A_206 = arith.addi %mul3A_2, %add3A_205 : i32
    %dma_start3A_207 = arith.constant 1 : i32
    %dma_start3A_208 = arith.constant 0 : i32
    %dma_start3A_209 = arith.constant 0 : i32
    %dma_start3A_210 = tpu.memref_slice %arg8[%dma_start3A_207, %dma_start3A_208, %dma_start3A_209] : memref<2x64x768xf32, #tpu.memory_space<vmem>> -> memref<1x64x768xf32, #tpu.memory_space<vmem>>
    %dma_start3A_211 = tpu.memref_squeeze %dma_start3A_210 : memref<1x64x768xf32, #tpu.memory_space<vmem>> -> memref<64x768xf32, #tpu.memory_space<vmem>>
    %dma_start3A_212 = arith.constant 0 : i32
    %dma_start3A_213 = tpu.memref_slice %arg5[%add3A_206, %dma_start3A_212] : memref<16384x768xf32, #tpu.memory_space<hbm>> -> memref<64x768xf32, #tpu.memory_space<hbm>>
    %dma_start3A_214 = arith.constant 0 : i32
    %dma_start3A_215 = tpu.memref_slice %arg5[%add3A_206, %dma_start3A_214] : memref<16384x768xf32, #tpu.memory_space<hbm>> -> memref<64x768xf32, #tpu.memory_space<hbm>>
    %dma_start3A_216 = arith.constant 0 : i32
    %dma_start3A_217 = arith.constant 0 : i32
    %dma_start3A_218 = tpu.memref_slice %arg8[%dma_start3A_207, %dma_start3A_216, %dma_start3A_217] : memref<2x64x768xf32, #tpu.memory_space<vmem>> -> memref<1x64x768xf32, #tpu.memory_space<vmem>>
    %dma_start3A_219 = tpu.memref_squeeze %dma_start3A_218 : memref<1x64x768xf32, #tpu.memory_space<vmem>> -> memref<64x768xf32, #tpu.memory_space<vmem>>
    tpu.enqueue_dma source(%dma_start3A_219 : memref<64x768xf32, #tpu.memory_space<vmem>>) target(%dma_start3A_215 : memref<64x768xf32, #tpu.memory_space<hbm>>) target_semaphore(%arg11 : memref<!tpu.dma_semaphore, #tpu.memory_space<semaphore_mem>>)
    %add3A_220 = arith.constant 192 : i32
    %add3A_221 = arith.addi %mul3A_2, %add3A_220 : i32
    %dma_wait3A_222 = arith.constant 1 : i32
    %dma_wait3A_223 = arith.constant 0 : i32
    %dma_wait3A_224 = arith.constant 0 : i32
    %dma_wait3A_225 = tpu.memref_slice %arg8[%dma_wait3A_222, %dma_wait3A_223, %dma_wait3A_224] : memref<2x64x768xf32, #tpu.memory_space<vmem>> -> memref<1x64x768xf32, #tpu.memory_space<vmem>>
    %dma_wait3A_226 = tpu.memref_squeeze %dma_wait3A_225 : memref<1x64x768xf32, #tpu.memory_space<vmem>> -> memref<64x768xf32, #tpu.memory_space<vmem>>
    %dma_wait3A_227 = arith.constant 0 : i32
    %dma_wait3A_228 = tpu.memref_slice %arg5[%add3A_221, %dma_wait3A_227] : memref<16384x768xf32, #tpu.memory_space<hbm>> -> memref<64x768xf32, #tpu.memory_space<hbm>>
    %dma_wait3A_229 = arith.constant 0 : i32
    %dma_wait3A_230 = tpu.memref_slice %arg5[%add3A_221, %dma_wait3A_229] : memref<16384x768xf32, #tpu.memory_space<hbm>> -> memref<64x768xf32, #tpu.memory_space<hbm>>
    %dma_wait3A_231 = arith.constant 0 : i32
    %dma_wait3A_232 = arith.constant 0 : i32
    %dma_wait3A_233 = tpu.memref_slice %arg8[%dma_wait3A_222, %dma_wait3A_231, %dma_wait3A_232] : memref<2x64x768xf32, #tpu.memory_space<vmem>> -> memref<1x64x768xf32, #tpu.memory_space<vmem>>
    %dma_wait3A_234 = tpu.memref_squeeze %dma_wait3A_233 : memref<1x64x768xf32, #tpu.memory_space<vmem>> -> memref<64x768xf32, #tpu.memory_space<vmem>>
    tpu.wait_dma2 semaphore(%arg11 : memref<!tpu.dma_semaphore, #tpu.memory_space<semaphore_mem>>) src(%dma_wait3A_234 : memref<64x768xf32, #tpu.memory_space<vmem>>) dst(%dma_wait3A_230 : memref<64x768xf32, #tpu.memory_space<hbm>>)
    %dma_start3A_235 = arith.constant 1 : i32
    %dma_start3A_236 = arith.constant 0 : i32
    %dma_start3A_237 = arith.constant 0 : i32
    %dma_start3A_238 = tpu.memref_slice %arg8[%dma_start3A_235, %dma_start3A_236, %dma_start3A_237] : memref<2x64x768xf32, #tpu.memory_space<vmem>> -> memref<1x64x768xf32, #tpu.memory_space<vmem>>
    %dma_start3A_239 = tpu.memref_squeeze %dma_start3A_238 : memref<1x64x768xf32, #tpu.memory_space<vmem>> -> memref<64x768xf32, #tpu.memory_space<vmem>>
    %dma_start3A_240 = arith.constant 320 : i32
    %dma_start3A_241 = tpu.memref_slice %arg7[%dma_start3A_240] : memref<512xi32, #tpu.memory_space<vmem>> -> memref<64xi32, #tpu.memory_space<vmem>>
    %dma_start3A_242 = arith.constant 0 : i32
    %dma_start3A_243 = arith.constant 0 : i32
    %dma_start3A_244 = tpu.memref_slice %arg3[%dma_start3A_242, %dma_start3A_243] : memref<100000x768xf32, #tpu.memory_space<hbm>> -> memref<100000x768xf32, #tpu.memory_space<hbm>>
    tpu.enqueue_indirect_dma source(%dma_start3A_244 : memref<100000x768xf32, #tpu.memory_space<hbm>>) target(%dma_start3A_239 : memref<64x768xf32, #tpu.memory_space<vmem>>) offsets(%dma_start3A_241 : memref<64xi32, #tpu.memory_space<vmem>>) semaphore(%arg10 : memref<!tpu.dma_semaphore, #tpu.memory_space<semaphore_mem>>)
    %dma_wait3A_245 = arith.constant 0 : i32
    %dma_wait3A_246 = arith.constant 0 : i32
    %dma_wait3A_247 = arith.constant 0 : i32
    %dma_wait3A_248 = tpu.memref_slice %arg8[%dma_wait3A_245, %dma_wait3A_246, %dma_wait3A_247] : memref<2x64x768xf32, #tpu.memory_space<vmem>> -> memref<1x64x768xf32, #tpu.memory_space<vmem>>
    %dma_wait3A_249 = tpu.memref_squeeze %dma_wait3A_248 : memref<1x64x768xf32, #tpu.memory_space<vmem>> -> memref<64x768xf32, #tpu.memory_space<vmem>>
    %dma_wait3A_250 = arith.constant 256 : i32
    %dma_wait3A_251 = tpu.memref_slice %arg7[%dma_wait3A_250] : memref<512xi32, #tpu.memory_space<vmem>> -> memref<64xi32, #tpu.memory_space<vmem>>
    %dma_wait3A_252 = arith.constant 0 : i32
    %dma_wait3A_253 = arith.constant 0 : i32
    %dma_wait3A_254 = tpu.memref_slice %arg3[%dma_wait3A_252, %dma_wait3A_253] : memref<100000x768xf32, #tpu.memory_space<hbm>> -> memref<100000x768xf32, #tpu.memory_space<hbm>>
    tpu.wait_indirect_dma semaphore(%arg10 : memref<!tpu.dma_semaphore, #tpu.memory_space<semaphore_mem>>) src(%dma_wait3A_254 : memref<100000x768xf32, #tpu.memory_space<hbm>>) dst(%dma_wait3A_249 : memref<64x768xf32, #tpu.memory_space<vmem>>)
    %add3A_255 = arith.constant 256 : i32
    %add3A_256 = arith.addi %mul3A_2, %add3A_255 : i32
    %dma_start3A_257 = arith.constant 0 : i32
    %dma_start3A_258 = arith.constant 0 : i32
    %dma_start3A_259 = arith.constant 0 : i32
    %dma_start3A_260 = tpu.memref_slice %arg8[%dma_start3A_257, %dma_start3A_258, %dma_start3A_259] : memref<2x64x768xf32, #tpu.memory_space<vmem>> -> memref<1x64x768xf32, #tpu.memory_space<vmem>>
    %dma_start3A_261 = tpu.memref_squeeze %dma_start3A_260 : memref<1x64x768xf32, #tpu.memory_space<vmem>> -> memref<64x768xf32, #tpu.memory_space<vmem>>
    %dma_start3A_262 = arith.constant 0 : i32
    %dma_start3A_263 = tpu.memref_slice %arg5[%add3A_256, %dma_start3A_262] : memref<16384x768xf32, #tpu.memory_space<hbm>> -> memref<64x768xf32, #tpu.memory_space<hbm>>
    %dma_start3A_264 = arith.constant 0 : i32
    %dma_start3A_265 = tpu.memref_slice %arg5[%add3A_256, %dma_start3A_264] : memref<16384x768xf32, #tpu.memory_space<hbm>> -> memref<64x768xf32, #tpu.memory_space<hbm>>
    %dma_start3A_266 = arith.constant 0 : i32
    %dma_start3A_267 = arith.constant 0 : i32
    %dma_start3A_268 = tpu.memref_slice %arg8[%dma_start3A_257, %dma_start3A_266, %dma_start3A_267] : memref<2x64x768xf32, #tpu.memory_space<vmem>> -> memref<1x64x768xf32, #tpu.memory_space<vmem>>
    %dma_start3A_269 = tpu.memref_squeeze %dma_start3A_268 : memref<1x64x768xf32, #tpu.memory_space<vmem>> -> memref<64x768xf32, #tpu.memory_space<vmem>>
    tpu.enqueue_dma source(%dma_start3A_269 : memref<64x768xf32, #tpu.memory_space<vmem>>) target(%dma_start3A_265 : memref<64x768xf32, #tpu.memory_space<hbm>>) target_semaphore(%arg11 : memref<!tpu.dma_semaphore, #tpu.memory_space<semaphore_mem>>)
    %add3A_270 = arith.constant 256 : i32
    %add3A_271 = arith.addi %mul3A_2, %add3A_270 : i32
    %dma_wait3A_272 = arith.constant 0 : i32
    %dma_wait3A_273 = arith.constant 0 : i32
    %dma_wait3A_274 = arith.constant 0 : i32
    %dma_wait3A_275 = tpu.memref_slice %arg8[%dma_wait3A_272, %dma_wait3A_273, %dma_wait3A_274] : memref<2x64x768xf32, #tpu.memory_space<vmem>> -> memref<1x64x768xf32, #tpu.memory_space<vmem>>
    %dma_wait3A_276 = tpu.memref_squeeze %dma_wait3A_275 : memref<1x64x768xf32, #tpu.memory_space<vmem>> -> memref<64x768xf32, #tpu.memory_space<vmem>>
    %dma_wait3A_277 = arith.constant 0 : i32
    %dma_wait3A_278 = tpu.memref_slice %arg5[%add3A_271, %dma_wait3A_277] : memref<16384x768xf32, #tpu.memory_space<hbm>> -> memref<64x768xf32, #tpu.memory_space<hbm>>
    %dma_wait3A_279 = arith.constant 0 : i32
    %dma_wait3A_280 = tpu.memref_slice %arg5[%add3A_271, %dma_wait3A_279] : memref<16384x768xf32, #tpu.memory_space<hbm>> -> memref<64x768xf32, #tpu.memory_space<hbm>>
    %dma_wait3A_281 = arith.constant 0 : i32
    %dma_wait3A_282 = arith.constant 0 : i32
    %dma_wait3A_283 = tpu.memref_slice %arg8[%dma_wait3A_272, %dma_wait3A_281, %dma_wait3A_282] : memref<2x64x768xf32, #tpu.memory_space<vmem>> -> memref<1x64x768xf32, #tpu.memory_space<vmem>>
    %dma_wait3A_284 = tpu.memref_squeeze %dma_wait3A_283 : memref<1x64x768xf32, #tpu.memory_space<vmem>> -> memref<64x768xf32, #tpu.memory_space<vmem>>
    tpu.wait_dma2 semaphore(%arg11 : memref<!tpu.dma_semaphore, #tpu.memory_space<semaphore_mem>>) src(%dma_wait3A_284 : memref<64x768xf32, #tpu.memory_space<vmem>>) dst(%dma_wait3A_280 : memref<64x768xf32, #tpu.memory_space<hbm>>)
    %dma_start3A_285 = arith.constant 0 : i32
    %dma_start3A_286 = arith.constant 0 : i32
    %dma_start3A_287 = arith.constant 0 : i32
    %dma_start3A_288 = tpu.memref_slice %arg8[%dma_start3A_285, %dma_start3A_286, %dma_start3A_287] : memref<2x64x768xf32, #tpu.memory_space<vmem>> -> memref<1x64x768xf32, #tpu.memory_space<vmem>>
    %dma_start3A_289 = tpu.memref_squeeze %dma_start3A_288 : memref<1x64x768xf32, #tpu.memory_space<vmem>> -> memref<64x768xf32, #tpu.memory_space<vmem>>
    %dma_start3A_290 = arith.constant 384 : i32
    %dma_start3A_291 = tpu.memref_slice %arg7[%dma_start3A_290] : memref<512xi32, #tpu.memory_space<vmem>> -> memref<64xi32, #tpu.memory_space<vmem>>
    %dma_start3A_292 = arith.constant 0 : i32
    %dma_start3A_293 = arith.constant 0 : i32
    %dma_start3A_294 = tpu.memref_slice %arg3[%dma_start3A_292, %dma_start3A_293] : memref<100000x768xf32, #tpu.memory_space<hbm>> -> memref<100000x768xf32, #tpu.memory_space<hbm>>
    tpu.enqueue_indirect_dma source(%dma_start3A_294 : memref<100000x768xf32, #tpu.memory_space<hbm>>) target(%dma_start3A_289 : memref<64x768xf32, #tpu.memory_space<vmem>>) offsets(%dma_start3A_291 : memref<64xi32, #tpu.memory_space<vmem>>) semaphore(%arg10 : memref<!tpu.dma_semaphore, #tpu.memory_space<semaphore_mem>>)
    %dma_wait3A_295 = arith.constant 1 : i32
    %dma_wait3A_296 = arith.constant 0 : i32
    %dma_wait3A_297 = arith.constant 0 : i32
    %dma_wait3A_298 = tpu.memref_slice %arg8[%dma_wait3A_295, %dma_wait3A_296, %dma_wait3A_297] : memref<2x64x768xf32, #tpu.memory_space<vmem>> -> memref<1x64x768xf32, #tpu.memory_space<vmem>>
    %dma_wait3A_299 = tpu.memref_squeeze %dma_wait3A_298 : memref<1x64x768xf32, #tpu.memory_space<vmem>> -> memref<64x768xf32, #tpu.memory_space<vmem>>
    %dma_wait3A_300 = arith.constant 320 : i32
    %dma_wait3A_301 = tpu.memref_slice %arg7[%dma_wait3A_300] : memref<512xi32, #tpu.memory_space<vmem>> -> memref<64xi32, #tpu.memory_space<vmem>>
    %dma_wait3A_302 = arith.constant 0 : i32
    %dma_wait3A_303 = arith.constant 0 : i32
    %dma_wait3A_304 = tpu.memref_slice %arg3[%dma_wait3A_302, %dma_wait3A_303] : memref<100000x768xf32, #tpu.memory_space<hbm>> -> memref<100000x768xf32, #tpu.memory_space<hbm>>
    tpu.wait_indirect_dma semaphore(%arg10 : memref<!tpu.dma_semaphore, #tpu.memory_space<semaphore_mem>>) src(%dma_wait3A_304 : memref<100000x768xf32, #tpu.memory_space<hbm>>) dst(%dma_wait3A_299 : memref<64x768xf32, #tpu.memory_space<vmem>>)
    %add3A_305 = arith.constant 320 : i32
    %add3A_306 = arith.addi %mul3A_2, %add3A_305 : i32
    %dma_start3A_307 = arith.constant 1 : i32
    %dma_start3A_308 = arith.constant 0 : i32
    %dma_start3A_309 = arith.constant 0 : i32
    %dma_start3A_310 = tpu.memref_slice %arg8[%dma_start3A_307, %dma_start3A_308, %dma_start3A_309] : memref<2x64x768xf32, #tpu.memory_space<vmem>> -> memref<1x64x768xf32, #tpu.memory_space<vmem>>
    %dma_start3A_311 = tpu.memref_squeeze %dma_start3A_310 : memref<1x64x768xf32, #tpu.memory_space<vmem>> -> memref<64x768xf32, #tpu.memory_space<vmem>>
    %dma_start3A_312 = arith.constant 0 : i32
    %dma_start3A_313 = tpu.memref_slice %arg5[%add3A_306, %dma_start3A_312] : memref<16384x768xf32, #tpu.memory_space<hbm>> -> memref<64x768xf32, #tpu.memory_space<hbm>>
    %dma_start3A_314 = arith.constant 0 : i32
    %dma_start3A_315 = tpu.memref_slice %arg5[%add3A_306, %dma_start3A_314] : memref<16384x768xf32, #tpu.memory_space<hbm>> -> memref<64x768xf32, #tpu.memory_space<hbm>>
    %dma_start3A_316 = arith.constant 0 : i32
    %dma_start3A_317 = arith.constant 0 : i32
    %dma_start3A_318 = tpu.memref_slice %arg8[%dma_start3A_307, %dma_start3A_316, %dma_start3A_317] : memref<2x64x768xf32, #tpu.memory_space<vmem>> -> memref<1x64x768xf32, #tpu.memory_space<vmem>>
    %dma_start3A_319 = tpu.memref_squeeze %dma_start3A_318 : memref<1x64x768xf32, #tpu.memory_space<vmem>> -> memref<64x768xf32, #tpu.memory_space<vmem>>
    tpu.enqueue_dma source(%dma_start3A_319 : memref<64x768xf32, #tpu.memory_space<vmem>>) target(%dma_start3A_315 : memref<64x768xf32, #tpu.memory_space<hbm>>) target_semaphore(%arg11 : memref<!tpu.dma_semaphore, #tpu.memory_space<semaphore_mem>>)
    %add3A_320 = arith.constant 320 : i32
    %add3A_321 = arith.addi %mul3A_2, %add3A_320 : i32
    %dma_wait3A_322 = arith.constant 1 : i32
    %dma_wait3A_323 = arith.constant 0 : i32
    %dma_wait3A_324 = arith.constant 0 : i32
    %dma_wait3A_325 = tpu.memref_slice %arg8[%dma_wait3A_322, %dma_wait3A_323, %dma_wait3A_324] : memref<2x64x768xf32, #tpu.memory_space<vmem>> -> memref<1x64x768xf32, #tpu.memory_space<vmem>>
    %dma_wait3A_326 = tpu.memref_squeeze %dma_wait3A_325 : memref<1x64x768xf32, #tpu.memory_space<vmem>> -> memref<64x768xf32, #tpu.memory_space<vmem>>
    %dma_wait3A_327 = arith.constant 0 : i32
    %dma_wait3A_328 = tpu.memref_slice %arg5[%add3A_321, %dma_wait3A_327] : memref<16384x768xf32, #tpu.memory_space<hbm>> -> memref<64x768xf32, #tpu.memory_space<hbm>>
    %dma_wait3A_329 = arith.constant 0 : i32
    %dma_wait3A_330 = tpu.memref_slice %arg5[%add3A_321, %dma_wait3A_329] : memref<16384x768xf32, #tpu.memory_space<hbm>> -> memref<64x768xf32, #tpu.memory_space<hbm>>
    %dma_wait3A_331 = arith.constant 0 : i32
    %dma_wait3A_332 = arith.constant 0 : i32
    %dma_wait3A_333 = tpu.memref_slice %arg8[%dma_wait3A_322, %dma_wait3A_331, %dma_wait3A_332] : memref<2x64x768xf32, #tpu.memory_space<vmem>> -> memref<1x64x768xf32, #tpu.memory_space<vmem>>
    %dma_wait3A_334 = tpu.memref_squeeze %dma_wait3A_333 : memref<1x64x768xf32, #tpu.memory_space<vmem>> -> memref<64x768xf32, #tpu.memory_space<vmem>>
    tpu.wait_dma2 semaphore(%arg11 : memref<!tpu.dma_semaphore, #tpu.memory_space<semaphore_mem>>) src(%dma_wait3A_334 : memref<64x768xf32, #tpu.memory_space<vmem>>) dst(%dma_wait3A_330 : memref<64x768xf32, #tpu.memory_space<hbm>>)
    %dma_start3A_335 = arith.constant 1 : i32
    %dma_start3A_336 = arith.constant 0 : i32
    %dma_start3A_337 = arith.constant 0 : i32
    %dma_start3A_338 = tpu.memref_slice %arg8[%dma_start3A_335, %dma_start3A_336, %dma_start3A_337] : memref<2x64x768xf32, #tpu.memory_space<vmem>> -> memref<1x64x768xf32, #tpu.memory_space<vmem>>
    %dma_start3A_339 = tpu.memref_squeeze %dma_start3A_338 : memref<1x64x768xf32, #tpu.memory_space<vmem>> -> memref<64x768xf32, #tpu.memory_space<vmem>>
    %dma_start3A_340 = arith.constant 448 : i32
    %dma_start3A_341 = tpu.memref_slice %arg7[%dma_start3A_340] : memref<512xi32, #tpu.memory_space<vmem>> -> memref<64xi32, #tpu.memory_space<vmem>>
    %dma_start3A_342 = arith.constant 0 : i32
    %dma_start3A_343 = arith.constant 0 : i32
    %dma_start3A_344 = tpu.memref_slice %arg3[%dma_start3A_342, %dma_start3A_343] : memref<100000x768xf32, #tpu.memory_space<hbm>> -> memref<100000x768xf32, #tpu.memory_space<hbm>>
    tpu.enqueue_indirect_dma source(%dma_start3A_344 : memref<100000x768xf32, #tpu.memory_space<hbm>>) target(%dma_start3A_339 : memref<64x768xf32, #tpu.memory_space<vmem>>) offsets(%dma_start3A_341 : memref<64xi32, #tpu.memory_space<vmem>>) semaphore(%arg10 : memref<!tpu.dma_semaphore, #tpu.memory_space<semaphore_mem>>)
    %dma_wait3A_345 = arith.constant 0 : i32
    %dma_wait3A_346 = arith.constant 0 : i32
    %dma_wait3A_347 = arith.constant 0 : i32
    %dma_wait3A_348 = tpu.memref_slice %arg8[%dma_wait3A_345, %dma_wait3A_346, %dma_wait3A_347] : memref<2x64x768xf32, #tpu.memory_space<vmem>> -> memref<1x64x768xf32, #tpu.memory_space<vmem>>
    %dma_wait3A_349 = tpu.memref_squeeze %dma_wait3A_348 : memref<1x64x768xf32, #tpu.memory_space<vmem>> -> memref<64x768xf32, #tpu.memory_space<vmem>>
    %dma_wait3A_350 = arith.constant 384 : i32
    %dma_wait3A_351 = tpu.memref_slice %arg7[%dma_wait3A_350] : memref<512xi32, #tpu.memory_space<vmem>> -> memref<64xi32, #tpu.memory_space<vmem>>
    %dma_wait3A_352 = arith.constant 0 : i32
    %dma_wait3A_353 = arith.constant 0 : i32
    %dma_wait3A_354 = tpu.memref_slice %arg3[%dma_wait3A_352, %dma_wait3A_353] : memref<100000x768xf32, #tpu.memory_space<hbm>> -> memref<100000x768xf32, #tpu.memory_space<hbm>>
    tpu.wait_indirect_dma semaphore(%arg10 : memref<!tpu.dma_semaphore, #tpu.memory_space<semaphore_mem>>) src(%dma_wait3A_354 : memref<100000x768xf32, #tpu.memory_space<hbm>>) dst(%dma_wait3A_349 : memref<64x768xf32, #tpu.memory_space<vmem>>)
    %add3A_355 = arith.constant 384 : i32
    %add3A_356 = arith.addi %mul3A_2, %add3A_355 : i32
    %dma_start3A_357 = arith.constant 0 : i32
    %dma_start3A_358 = arith.constant 0 : i32
    %dma_start3A_359 = arith.constant 0 : i32
    %dma_start3A_360 = tpu.memref_slice %arg8[%dma_start3A_357, %dma_start3A_358, %dma_start3A_359] : memref<2x64x768xf32, #tpu.memory_space<vmem>> -> memref<1x64x768xf32, #tpu.memory_space<vmem>>
    %dma_start3A_361 = tpu.memref_squeeze %dma_start3A_360 : memref<1x64x768xf32, #tpu.memory_space<vmem>> -> memref<64x768xf32, #tpu.memory_space<vmem>>
    %dma_start3A_362 = arith.constant 0 : i32
    %dma_start3A_363 = tpu.memref_slice %arg5[%add3A_356, %dma_start3A_362] : memref<16384x768xf32, #tpu.memory_space<hbm>> -> memref<64x768xf32, #tpu.memory_space<hbm>>
    %dma_start3A_364 = arith.constant 0 : i32
    %dma_start3A_365 = tpu.memref_slice %arg5[%add3A_356, %dma_start3A_364] : memref<16384x768xf32, #tpu.memory_space<hbm>> -> memref<64x768xf32, #tpu.memory_space<hbm>>
    %dma_start3A_366 = arith.constant 0 : i32
    %dma_start3A_367 = arith.constant 0 : i32
    %dma_start3A_368 = tpu.memref_slice %arg8[%dma_start3A_357, %dma_start3A_366, %dma_start3A_367] : memref<2x64x768xf32, #tpu.memory_space<vmem>> -> memref<1x64x768xf32, #tpu.memory_space<vmem>>
    %dma_start3A_369 = tpu.memref_squeeze %dma_start3A_368 : memref<1x64x768xf32, #tpu.memory_space<vmem>> -> memref<64x768xf32, #tpu.memory_space<vmem>>
    tpu.enqueue_dma source(%dma_start3A_369 : memref<64x768xf32, #tpu.memory_space<vmem>>) target(%dma_start3A_365 : memref<64x768xf32, #tpu.memory_space<hbm>>) target_semaphore(%arg11 : memref<!tpu.dma_semaphore, #tpu.memory_space<semaphore_mem>>)
    %dma_wait3A_370 = arith.constant 1 : i32
    %dma_wait3A_371 = arith.constant 0 : i32
    %dma_wait3A_372 = arith.constant 0 : i32
    %dma_wait3A_373 = tpu.memref_slice %arg8[%dma_wait3A_370, %dma_wait3A_371, %dma_wait3A_372] : memref<2x64x768xf32, #tpu.memory_space<vmem>> -> memref<1x64x768xf32, #tpu.memory_space<vmem>>
    %dma_wait3A_374 = tpu.memref_squeeze %dma_wait3A_373 : memref<1x64x768xf32, #tpu.memory_space<vmem>> -> memref<64x768xf32, #tpu.memory_space<vmem>>
    %dma_wait3A_375 = arith.constant 448 : i32
    %dma_wait3A_376 = tpu.memref_slice %arg7[%dma_wait3A_375] : memref<512xi32, #tpu.memory_space<vmem>> -> memref<64xi32, #tpu.memory_space<vmem>>
    %dma_wait3A_377 = arith.constant 0 : i32
    %dma_wait3A_378 = arith.constant 0 : i32
    %dma_wait3A_379 = tpu.memref_slice %arg3[%dma_wait3A_377, %dma_wait3A_378] : memref<100000x768xf32, #tpu.memory_space<hbm>> -> memref<100000x768xf32, #tpu.memory_space<hbm>>
    tpu.wait_indirect_dma semaphore(%arg10 : memref<!tpu.dma_semaphore, #tpu.memory_space<semaphore_mem>>) src(%dma_wait3A_379 : memref<100000x768xf32, #tpu.memory_space<hbm>>) dst(%dma_wait3A_374 : memref<64x768xf32, #tpu.memory_space<vmem>>)
    %add3A_380 = arith.constant 448 : i32
    %add3A_381 = arith.addi %mul3A_2, %add3A_380 : i32
    %dma_start3A_382 = arith.constant 1 : i32
    %dma_start3A_383 = arith.constant 0 : i32
    %dma_start3A_384 = arith.constant 0 : i32
    %dma_start3A_385 = tpu.memref_slice %arg8[%dma_start3A_382, %dma_start3A_383, %dma_start3A_384] : memref<2x64x768xf32, #tpu.memory_space<vmem>> -> memref<1x64x768xf32, #tpu.memory_space<vmem>>
    %dma_start3A_386 = tpu.memref_squeeze %dma_start3A_385 : memref<1x64x768xf32, #tpu.memory_space<vmem>> -> memref<64x768xf32, #tpu.memory_space<vmem>>
    %dma_start3A_387 = arith.constant 0 : i32
    %dma_start3A_388 = tpu.memref_slice %arg5[%add3A_381, %dma_start3A_387] : memref<16384x768xf32, #tpu.memory_space<hbm>> -> memref<64x768xf32, #tpu.memory_space<hbm>>
    %dma_start3A_389 = arith.constant 0 : i32
    %dma_start3A_390 = tpu.memref_slice %arg5[%add3A_381, %dma_start3A_389] : memref<16384x768xf32, #tpu.memory_space<hbm>> -> memref<64x768xf32, #tpu.memory_space<hbm>>
    %dma_start3A_391 = arith.constant 0 : i32
    %dma_start3A_392 = arith.constant 0 : i32
    %dma_start3A_393 = tpu.memref_slice %arg8[%dma_start3A_382, %dma_start3A_391, %dma_start3A_392] : memref<2x64x768xf32, #tpu.memory_space<vmem>> -> memref<1x64x768xf32, #tpu.memory_space<vmem>>
    %dma_start3A_394 = tpu.memref_squeeze %dma_start3A_393 : memref<1x64x768xf32, #tpu.memory_space<vmem>> -> memref<64x768xf32, #tpu.memory_space<vmem>>
    tpu.enqueue_dma source(%dma_start3A_394 : memref<64x768xf32, #tpu.memory_space<vmem>>) target(%dma_start3A_390 : memref<64x768xf32, #tpu.memory_space<hbm>>) target_semaphore(%arg11 : memref<!tpu.dma_semaphore, #tpu.memory_space<semaphore_mem>>)
    %dma_wait3A_395 = arith.constant 0 : i32
    %dma_wait3A_396 = tpu.memref_slice %arg9[%dma_wait3A_395] : memref<512xf32, #tpu.memory_space<vmem>> -> memref<128xf32, #tpu.memory_space<vmem>>
    %dma_wait3A_397 = arith.constant 0 : i32
    %dma_wait3A_398 = tpu.memref_slice %arg7[%dma_wait3A_397] : memref<512xi32, #tpu.memory_space<vmem>> -> memref<128xi32, #tpu.memory_space<vmem>>
    %dma_wait3A_399 = arith.constant 0 : i32
    %dma_wait3A_400 = tpu.memref_slice %arg4[%dma_wait3A_399] : memref<100000xf32, #tpu.memory_space<hbm>> -> memref<100000xf32, #tpu.memory_space<hbm>>
    tpu.wait_indirect_dma semaphore(%arg12 : memref<!tpu.dma_semaphore, #tpu.memory_space<semaphore_mem>>) src(%dma_wait3A_400 : memref<100000xf32, #tpu.memory_space<hbm>>) dst(%dma_wait3A_396 : memref<128xf32, #tpu.memory_space<vmem>>)
    %dma_wait3A_401 = arith.constant 128 : i32
    %dma_wait3A_402 = tpu.memref_slice %arg9[%dma_wait3A_401] : memref<512xf32, #tpu.memory_space<vmem>> -> memref<128xf32, #tpu.memory_space<vmem>>
    %dma_wait3A_403 = arith.constant 128 : i32
    %dma_wait3A_404 = tpu.memref_slice %arg7[%dma_wait3A_403] : memref<512xi32, #tpu.memory_space<vmem>> -> memref<128xi32, #tpu.memory_space<vmem>>
    %dma_wait3A_405 = arith.constant 0 : i32
    %dma_wait3A_406 = tpu.memref_slice %arg4[%dma_wait3A_405] : memref<100000xf32, #tpu.memory_space<hbm>> -> memref<100000xf32, #tpu.memory_space<hbm>>
    tpu.wait_indirect_dma semaphore(%arg12 : memref<!tpu.dma_semaphore, #tpu.memory_space<semaphore_mem>>) src(%dma_wait3A_406 : memref<100000xf32, #tpu.memory_space<hbm>>) dst(%dma_wait3A_402 : memref<128xf32, #tpu.memory_space<vmem>>)
    %dma_wait3A_407 = arith.constant 256 : i32
    %dma_wait3A_408 = tpu.memref_slice %arg9[%dma_wait3A_407] : memref<512xf32, #tpu.memory_space<vmem>> -> memref<128xf32, #tpu.memory_space<vmem>>
    %dma_wait3A_409 = arith.constant 256 : i32
    %dma_wait3A_410 = tpu.memref_slice %arg7[%dma_wait3A_409] : memref<512xi32, #tpu.memory_space<vmem>> -> memref<128xi32, #tpu.memory_space<vmem>>
    %dma_wait3A_411 = arith.constant 0 : i32
    %dma_wait3A_412 = tpu.memref_slice %arg4[%dma_wait3A_411] : memref<100000xf32, #tpu.memory_space<hbm>> -> memref<100000xf32, #tpu.memory_space<hbm>>
    tpu.wait_indirect_dma semaphore(%arg12 : memref<!tpu.dma_semaphore, #tpu.memory_space<semaphore_mem>>) src(%dma_wait3A_412 : memref<100000xf32, #tpu.memory_space<hbm>>) dst(%dma_wait3A_408 : memref<128xf32, #tpu.memory_space<vmem>>)
    %dma_wait3A_413 = arith.constant 384 : i32
    %dma_wait3A_414 = tpu.memref_slice %arg9[%dma_wait3A_413] : memref<512xf32, #tpu.memory_space<vmem>> -> memref<128xf32, #tpu.memory_space<vmem>>
    %dma_wait3A_415 = arith.constant 384 : i32
    %dma_wait3A_416 = tpu.memref_slice %arg7[%dma_wait3A_415] : memref<512xi32, #tpu.memory_space<vmem>> -> memref<128xi32, #tpu.memory_space<vmem>>
    %dma_wait3A_417 = arith.constant 0 : i32
    %dma_wait3A_418 = tpu.memref_slice %arg4[%dma_wait3A_417] : memref<100000xf32, #tpu.memory_space<hbm>> -> memref<100000xf32, #tpu.memory_space<hbm>>
    tpu.wait_indirect_dma semaphore(%arg12 : memref<!tpu.dma_semaphore, #tpu.memory_space<semaphore_mem>>) src(%dma_wait3A_418 : memref<100000xf32, #tpu.memory_space<hbm>>) dst(%dma_wait3A_414 : memref<128xf32, #tpu.memory_space<vmem>>)
    %dma_start3A_419 = tpu.memref_slice %arg6[%mul3A_2] : memref<16384xf32, #tpu.memory_space<hbm>> -> memref<512xf32, #tpu.memory_space<hbm>>
    %dma_start3A_420 = tpu.memref_slice %arg6[%mul3A_2] : memref<16384xf32, #tpu.memory_space<hbm>> -> memref<512xf32, #tpu.memory_space<hbm>>
    tpu.enqueue_dma source(%arg9 : memref<512xf32, #tpu.memory_space<vmem>>) target(%dma_start3A_420 : memref<512xf32, #tpu.memory_space<hbm>>) target_semaphore(%arg12 : memref<!tpu.dma_semaphore, #tpu.memory_space<semaphore_mem>>)
    %add3A_421 = arith.constant 384 : i32
    %add3A_422 = arith.addi %mul3A_2, %add3A_421 : i32
    %dma_wait3A_423 = arith.constant 0 : i32
    %dma_wait3A_424 = arith.constant 0 : i32
    %dma_wait3A_425 = arith.constant 0 : i32
    %dma_wait3A_426 = tpu.memref_slice %arg8[%dma_wait3A_423, %dma_wait3A_424, %dma_wait3A_425] : memref<2x64x768xf32, #tpu.memory_space<vmem>> -> memref<1x64x768xf32, #tpu.memory_space<vmem>>
    %dma_wait3A_427 = tpu.memref_squeeze %dma_wait3A_426 : memref<1x64x768xf32, #tpu.memory_space<vmem>> -> memref<64x768xf32, #tpu.memory_space<vmem>>
    %dma_wait3A_428 = arith.constant 0 : i32
    %dma_wait3A_429 = tpu.memref_slice %arg5[%add3A_422, %dma_wait3A_428] : memref<16384x768xf32, #tpu.memory_space<hbm>> -> memref<64x768xf32, #tpu.memory_space<hbm>>
    %dma_wait3A_430 = arith.constant 0 : i32
    %dma_wait3A_431 = tpu.memref_slice %arg5[%add3A_422, %dma_wait3A_430] : memref<16384x768xf32, #tpu.memory_space<hbm>> -> memref<64x768xf32, #tpu.memory_space<hbm>>
    %dma_wait3A_432 = arith.constant 0 : i32
    %dma_wait3A_433 = arith.constant 0 : i32
    %dma_wait3A_434 = tpu.memref_slice %arg8[%dma_wait3A_423, %dma_wait3A_432, %dma_wait3A_433] : memref<2x64x768xf32, #tpu.memory_space<vmem>> -> memref<1x64x768xf32, #tpu.memory_space<vmem>>
    %dma_wait3A_435 = tpu.memref_squeeze %dma_wait3A_434 : memref<1x64x768xf32, #tpu.memory_space<vmem>> -> memref<64x768xf32, #tpu.memory_space<vmem>>
    tpu.wait_dma2 semaphore(%arg11 : memref<!tpu.dma_semaphore, #tpu.memory_space<semaphore_mem>>) src(%dma_wait3A_435 : memref<64x768xf32, #tpu.memory_space<vmem>>) dst(%dma_wait3A_431 : memref<64x768xf32, #tpu.memory_space<hbm>>)
    %add3A_436 = arith.constant 448 : i32
    %add3A_437 = arith.addi %mul3A_2, %add3A_436 : i32
    %dma_wait3A_438 = arith.constant 1 : i32
    %dma_wait3A_439 = arith.constant 0 : i32
    %dma_wait3A_440 = arith.constant 0 : i32
    %dma_wait3A_441 = tpu.memref_slice %arg8[%dma_wait3A_438, %dma_wait3A_439, %dma_wait3A_440] : memref<2x64x768xf32, #tpu.memory_space<vmem>> -> memref<1x64x768xf32, #tpu.memory_space<vmem>>
    %dma_wait3A_442 = tpu.memref_squeeze %dma_wait3A_441 : memref<1x64x768xf32, #tpu.memory_space<vmem>> -> memref<64x768xf32, #tpu.memory_space<vmem>>
    %dma_wait3A_443 = arith.constant 0 : i32
    %dma_wait3A_444 = tpu.memref_slice %arg5[%add3A_437, %dma_wait3A_443] : memref<16384x768xf32, #tpu.memory_space<hbm>> -> memref<64x768xf32, #tpu.memory_space<hbm>>
    %dma_wait3A_445 = arith.constant 0 : i32
    %dma_wait3A_446 = tpu.memref_slice %arg5[%add3A_437, %dma_wait3A_445] : memref<16384x768xf32, #tpu.memory_space<hbm>> -> memref<64x768xf32, #tpu.memory_space<hbm>>
    %dma_wait3A_447 = arith.constant 0 : i32
    %dma_wait3A_448 = arith.constant 0 : i32
    %dma_wait3A_449 = tpu.memref_slice %arg8[%dma_wait3A_438, %dma_wait3A_447, %dma_wait3A_448] : memref<2x64x768xf32, #tpu.memory_space<vmem>> -> memref<1x64x768xf32, #tpu.memory_space<vmem>>
    %dma_wait3A_450 = tpu.memref_squeeze %dma_wait3A_449 : memref<1x64x768xf32, #tpu.memory_space<vmem>> -> memref<64x768xf32, #tpu.memory_space<vmem>>
    tpu.wait_dma2 semaphore(%arg11 : memref<!tpu.dma_semaphore, #tpu.memory_space<semaphore_mem>>) src(%dma_wait3A_450 : memref<64x768xf32, #tpu.memory_space<vmem>>) dst(%dma_wait3A_446 : memref<64x768xf32, #tpu.memory_space<hbm>>)
    %dma_wait3A_451 = tpu.memref_slice %arg6[%mul3A_2] : memref<16384xf32, #tpu.memory_space<hbm>> -> memref<512xf32, #tpu.memory_space<hbm>>
    %dma_wait3A_452 = tpu.memref_slice %arg6[%mul3A_2] : memref<16384xf32, #tpu.memory_space<hbm>> -> memref<512xf32, #tpu.memory_space<hbm>>
    tpu.wait_dma2 semaphore(%arg12 : memref<!tpu.dma_semaphore, #tpu.memory_space<semaphore_mem>>) src(%arg9 : memref<512xf32, #tpu.memory_space<vmem>>) dst(%dma_wait3A_452 : memref<512xf32, #tpu.memory_space<hbm>>)
    return
  }
}

</mosaic_0001>

<sc_bundles>
// kernel: kernel.3.cloned.1.call-start
scs
__scs_entry_jumppad:
0x0: {  	(pc) =	sbr.rel $0x88, $3  }
0x1: {  	(tag) =	ssettag $0x0;
	lr =	simm.s32 $0x1  }
0x2: {  	[smem:$0x3F9E] =	sst lr;
	_ =	strace $0xD0000000  }
0x3: {  	_ = 	snop  }
0x4: {  	_ = 	snop  }
0x5: {  	_ = 	snop  }
0x6: {  	_ = 	snop  }
0x7: {  	_ = 	snop  }
__scs_overlays_trampoline_lowered:
0x8: {  	[smem:$0x3FAD] =	sst s0  }
0x9: {  	[smem:$0x3FAE] =	sst s1  }
0xa: {  	[smem:$0x3FAF] =	sst s2  }
0xb: {  	[smem:$0x3FB0] =	sst s3  }
0xc: {  	[smem:$0x3FB1] =	sst s4  }
0xd: {  	[smem:$0x3FB2] =	sst s5  }
0xe: {  	[smem:$0x3FB3] =	sst s6  }
0xf: {  	[smem:$0x3FB4] =	sst s7  }
0x10: {  	[smem:$0x3FB5] =	sst s8  }
0x11: {  	[smem:$0x3FB6] =	sst s9;
	s0 =	simm.s32 @!p0 $0x0  }
0x12: {  	s1 =	sld [smem:$0x3F9C];
	s0 =	simm.s32 @p0 $0x1  }
0x13: {  	[smem:$0x3FB7] =	sst s0;
	s0 =	simm.s32 @!p1 $0x0  }
0x14: {  	s2 =	sld [smem:$0x3F9B];
	s0 =	simm.s32 @p1 $0x1  }
0x15: {  	[smem:$0x3FB8] =	sst s0;
	s0 =	simm.s32 @!p2 $0x0  }
0x16: {  	s3 =	sld [smem:$0x3FDB];
	s0 =	simm.s32 @p2 $0x1  }
0x17: {  	s4 =	simm.s32 $0x1BF5;
	[smem:$0x3FBA] =	sst s0  }
0x18: {  	s0 =	sld [smem:$0x3F9D];
	_ =	swait.ge [sflag:s4], $0x0  }
0x19: {  	s7 =	sld [smem:$0x3F9E]  }
0x1a: {  	s8 =	sadd.s32 $0xFFFFE003, lr  }
0x1b: {  	s9 =	sadd.s32 $0xFFFFFEF7, lr;
	s5 =	simm.s32 $0xFFFFFFFF;
	p2 =	slt.u32 s8, $0xFFFFF086  }
0x1c: {  	p1 =	slt.u32 s9, $0xF7A;
	s5 =	simm.s32 @!p2 $0x0  }
0x1d: {  	s5 =	simm.s32 @p1 $0x1;
	p0 =	seq.s32 s7, s2  }
0x1e: {  	s7 =	smul.u32 @!p0 $0xF7A, s2;
	p2 =	seq.s32 @!p0 s5, $0x0  }
0x1f: {  	s9 =	smul.u32 $0xF7A, s1;
	s8 =	simm.s32 @!p0 $0x1BF5;
	p2 =	por !p2, p0  }
0x20: {  	[sflag:s8] =	ssyncset.s32 @!p0 $0xFFFFF086;
	s6 =	sadd.s32 @!p0 s3, s7;
	s7 =	simm.s32 @!p0 $0x108  }
0x21: {  	s3 =	sadd.s32 s3, s9;
	s6 =	sadd.s32 @!p0 $0x88, s6;
	s7 =	simm.s32 @p2 $0x1082  }
0x22: {  	[simem:s7], [sflag:s8] =	dma.local @!p0 [hbm:s6], $0xF7A  }
0x23: {  	s9 =	sor.u32 $0xD0000000, s2;
	s6 =	simm.s32 $0x108;
	_ =	swait.ge @!p0 [sflag:s8], $0x0  }
0x24: {  	s3 =	sadd.s32 $0x88, s3;
	s6 =	simm.s32 @!p1 $0x1082;
	[sflag:s4] =	ssyncset.s32 $0xFFFFF086  }
0x25: {  	[simem:s6], [sflag:s4] =	dma.local [hbm:s3], $0xF7A  }
0x26: {  	[smem:$0x3F9E] =	sst s1;
	(tag) =	ssettag s2;
	_ =	strace s9  }
0x27: {  	s1 =	sld [smem:$0x3FAE]  }
0x28: {  	s2 =	sld [smem:$0x3FAF]  }
0x29: {  	s4 =	sld [smem:$0x3FB1]  }
0x2a: {  	p0 =	seq.s32 s5, $0x0;
	s5 =	sld [smem:$0x3FB2]  }
0x2b: {  	s6 =	sld [smem:$0x3FB3]  }
0x2c: {  	s7 =	sld [smem:$0x3FB4]  }
0x2d: {  	s3 =	simm.s32 $0x108;
	s8 =	sld [smem:$0x3FB5]  }
0x2e: {  	s3 =	simm.s32 @!p0 $0x1082;
	s9 =	sld [smem:$0x3FB6]  }
0x2f: {  	lr =	sadd.s32 s0, s3;
	s0 =	sld [smem:$0x3FAD]  }
0x30: {  	s3 =	sld [smem:$0x3FB0]  }
0x31: {  	[smem:$0x3FB9] =	sst s10  }
0x32: {  	s10 =	sld [smem:$0x3FB7];
	_ =	sdelay $0x3  }
0x33: {  	p0 =	seq.s32 s10, $0x1;
	s10 =	sld [smem:$0x3FB9];
	_ =	sdelay $0x3  }
0x34: {  	[smem:$0x3FB9] =	sst s10  }
0x35: {  	s10 =	sld [smem:$0x3FB8];
	_ =	sdelay $0x3  }
0x36: {  	p1 =	seq.s32 s10, $0x1;
	s10 =	sld [smem:$0x3FB9];
	_ =	sdelay $0x3  }
0x37: {  	[smem:$0x3FB9] =	sst s10  }
0x38: {  	s10 =	sld [smem:$0x3FBA]  }
0x39: {  	_ = 	snop;
	(pc) =	sbr.ind lr, $3  }
0x3a: {  	_ = 	snop  }
0x3b: {  	_ = 	snop  }
0x3c: {  	p2 =	seq.s32 s10, $0x1;
	s10 =	sld [smem:$0x3FB9]  }
0x3d: {  	_ =	shalt  }
0x3e: {  	_ =	shalt  }
0x3f: {  	_ =	shalt  }
0x40: {  	_ =	shalt  }
0x41: {  	_ =	shalt  }
0x42: {  	_ =	shalt  }
0x43: {  	_ =	shalt  }
0x44: {  	_ =	shalt  }
0x45: {  	_ =	shalt  }
0x46: {  	_ =	shalt  }
0x47: {  	_ =	shalt  }
0x48: {  	_ =	shalt  }
0x49: {  	_ =	shalt  }
0x4a: {  	_ =	shalt  }
0x4b: {  	_ =	shalt  }
0x4c: {  	_ =	shalt  }
0x4d: {  	_ =	shalt  }
0x4e: {  	_ =	shalt  }
0x4f: {  	_ =	shalt  }
0x50: {  	_ =	shalt  }
0x51: {  	_ =	shalt  }
0x52: {  	_ =	shalt  }
0x53: {  	_ =	shalt  }
0x54: {  	_ =	shalt  }
0x55: {  	_ =	shalt  }
0x56: {  	_ =	shalt  }
0x57: {  	_ =	shalt  }
0x58: {  	_ =	shalt  }
0x59: {  	_ =	shalt  }
0x5a: {  	_ =	shalt  }
0x5b: {  	_ =	shalt  }
0x5c: {  	_ =	shalt  }
0x5d: {  	_ =	shalt  }
0x5e: {  	_ =	shalt  }
0x5f: {  	_ =	shalt  }
0x60: {  	_ =	shalt  }
0x61: {  	_ =	shalt  }
0x62: {  	_ =	shalt  }
0x63: {  	_ =	shalt  }
0x64: {  	_ =	shalt  }
0x65: {  	_ =	shalt  }
0x66: {  	_ =	shalt  }
0x67: {  	_ =	shalt  }
0x68: {  	_ =	shalt  }
0x69: {  	_ =	shalt  }
0x6a: {  	_ =	shalt  }
0x6b: {  	_ =	shalt  }
0x6c: {  	_ =	shalt  }
0x6d: {  	_ =	shalt  }
0x6e: {  	_ =	shalt  }
0x6f: {  	_ =	shalt  }
0x70: {  	_ =	shalt  }
0x71: {  	_ =	shalt  }
0x72: {  	_ =	shalt  }
0x73: {  	_ =	shalt  }
0x74: {  	_ =	shalt  }
0x75: {  	_ =	shalt  }
0x76: {  	_ =	shalt  }
0x77: {  	_ =	shalt  }
0x78: {  	_ =	shalt  }
0x79: {  	_ =	shalt  }
0x7a: {  	_ =	shalt  }
0x7b: {  	_ =	shalt  }
0x7c: {  	_ =	shalt  }
0x7d: {  	_ =	shalt  }
0x7e: {  	_ =	shalt  }
0x7f: {  	_ =	shalt  }
0x80: {  	_ =	shalt  }
0x81: {  	_ =	shalt  }
0x82: {  	_ =	shalt  }
0x83: {  	_ =	shalt  }
0x84: {  	_ =	shalt  }
0x85: {  	_ =	shalt  }
0x86: {  	_ =	shalt  }
0x87: {  	_ =	shalt  }
.Lfunc_end0:
.L_simem_size_0:
called_computation_lowered:
.L_overlay_start_0:
0x88: {  	s2 =	sld [smem:$0x3FD9]  }
0x89: {  	s3 =	sld [smem:$0x3FFE];
	_ =	sdelay $0x1  }
0x8a: {  	s1 =	srdreg.scid  }
0x8b: {  	s0 =	sand.u32 $0x1, s1  }
0x8c: {  	s14 =	sshll.u32 s0, $0xA;
	s2 =	sadd.s32 s3, s2  }
0x8d: {  	s2 =	sadd.s32 s2, s14  }
0x8e: {  	[smem:$0x3FC5] =	sst s2  }
0x8f: {  	_ = 	snop  }
0x90: {  	s2 =	sld [smem:$0x3FD0];
	_ =	sdelay $0x2  }
0x91: {  	s4 =	simm.s32 $0xA;
	s5 =	simm.s32 $0x10;
	s15 =	sld [smem:$0x3FC8]  }
0x92: {  	[smem:s5], [sflag:s4] =	dma.local [hbm:s2], $0x1  }
0x93: {  	_ =	swait.eq [sflag:s4], $0x1  }
0x94: {  	[sflag:s4] =	ssyncset.done $0x0  }
0x95: {  	s16 =	sld [smem:$0x10];
	[sflag:s4] =	ssyncadd.s32 $0xFFFFFFFF  }
0x96: {  	s17 =	sld [smem:$0x11];
	(tm) =	ssettm $0x1  }
0x97: {  	s18 =	sld [smem:$0x3FFB];
	_ =	sdelay $0x3  }
0x98: {  	_ =	strace s18  }
0x99: {  	s5 =	sld [smem:$0x3FFC];
	_ =	sdelay $0x3  }
0x9a: {  	_ =	strace s5  }
0x9b: {  	s5 =	sld [smem:$0x3FFD];
	_ =	sdelay $0x3  }
0x9c: {  	_ =	strace s5  }
0x9d: {  	_ =	strace $0x8FFFFFFF  }
0x9e: {  	s19 =	sld [smem:$0x3FDB];
	_ =	sdelay $0x1  }
0x9f: {  	s6 =	simm.s32 $_scs_section_size  }
0xa0: {  	s7 =	simm.s32 $_size__tile_overlayer_lowered;
	s8 =	simm.s32 $_tile_overlayer_lowered  }
0xa1: {  	s22 =	simm.s32 $0x1BFF;
	s21 =	sshll.u32 s8, $0x1;
	s5 =	sadd.s32 s6, s19  }
0xa2: {  	s9 =	simm.s32 $0x0;
	s20 =	sshll.u32 s7, $0x1;
	s7 =	sadd.s32 s21, s5  }
0xa3: {  	[timem:s9], [sflag:s22] =	dma.local [hbm:s7], s20  }
0xa4: {  	_ =	swait.ge [sflag:s22], s20  }
0xa5: {  	s6 =	ssub.s32 $0x0, s20;
	[sflag:s22] =	ssyncset.done $0x0  }
0xa6: {  	[sflag:s22] =	ssyncadd.s32 s6;
	_ =	sdelay $0x1  }
0xa7: {  	s23 =	simm.s32 $0x1B8B  }
0xa8: {  	_ =	swait.ge [sflag:s23], $0x1  }
0xa9: {  	[sflag:s23] =	ssyncset.done $0x0  }
0xaa: {  	s25 =	simm.s32 $0x1B8E;
	s24 =	sld [smem:$0x3FFE];
	[sflag:s23] =	ssyncadd.s32 $0xFFFFFFFF  }
0xab: {  	s26 =	simm.s32 $execute0_lowered;
	[smem:$0x3FD2] =	sst s25  }
0xac: {  	s7 =	sshll.u32 s26, $0x1;
	_ =	strace $0x80000046;
	[dreg:$0x1] =	wrdreg $0xFFFFFFFF  }
0xad: {  	s28 =	simm.s32 $_size_execute0_lowered;
	s5 =	sadd.s32 s5, s7;
	[dreg:$0x0] =	wrdreg $0x0  }
0xae: {  	s7 =	sshll.u32 s28, $0x1;
	[dreg:$0x2] =	wrdreg s5  }
0xaf: {  	[dreg:$0x3] =	wrdreg s7  }
0xb0: {  	[dreg:$0x4] =	wrdreg $0xC0  }
0xb1: {  	_ =	task [dreg:s9], $0x5FFFF  }
0xb2: {  	[dreg:$0x1] =	wrdreg $0xFFFFFFFF  }
0xb3: {  	[dreg:$0x0] =	wrdreg $0x60  }
0xb4: {  	[dreg:$0x2] =	wrdreg s24  }
0xb5: {  	[dreg:$0x3] =	wrdreg s15  }
0xb6: {  	[dreg:$0x4] =	wrdreg s16  }
0xb7: {  	[dreg:$0x5] =	wrdreg s17  }
0xb8: {  	[dreg:$0x6] =	wrdreg $0x9  }
0xb9: {  	_ =	task.clear_ibuf [dreg:s9], $0x7FFFF;
	_ =	strace $0x90000046  }
0xba: {  	s29 =	simm.s32 $0x9;
	_ =	strace $0x80000048  }
0xbb: {  	_ =	swait.ge [sflag:s29], $0x1  }
0xbc: {  	[sflag:s29] =	ssyncadd.s32 $0xFFFFFFFF  }
0xbd: {  	_ =	strace $0x90000048  }
0xbe: {  	_ =	sfence  }
0xbf: {  	s30 =	sld [smem:$0x0];
	_ =	sdelay $0x2  }
0xc0: {  	s31 =	sshll.u32 s1, $0xD;
	s1 =	sshrl.u32 s1, $0x2  }
0xc1: {  	s3 =	sand.u32 $0x4000, s31;
	s1 =	sadd.s32 s1, s30  }
0xc2: {  	s0 =	sor.u32 s3, s0;
	s1 =	sshll.u32 s1, $0x11  }
0xc3: {  	s0 =	sor.u32 s1, s0  }
0xc4: {  	s0 =	sadd.s32 $0x8F2B, s0  }
0xc5: {  	[sflag:s0] =	ssyncadd.remote.s32 $0x1  }
0xc6: {  	_ =	sfence.sel $0xFFFF  }
0xc7: {  	[dreg:$0x0] =	wrdreg $0xFFFFFFFF;
	(pc) =	sbr.abs _section_cstart, $3  }
0xc8: {  	[dreg:$0x1] =	wrdreg $0xFFFFFFFF  }
0xc9: {  	_ =	task.clear_ibuf [dreg:s9], $0x2FFFF;
	_ =	strace $0x9FFFFFFF  }
0xca: {  	(tm) =	ssettm $0x7FFFFFFF  }
0xcb: {  	_ =	shalt  }
tec
execute0_lowered:
.L_overlay_start_1:
0x0: {  	(tag) =	ssettag $0x1  }
0x1: {  	s0 =	rddreg [dreg:$0x0];
	s2 =	srdreg.scid  }
0x2: {  	s1 =	rddreg [dreg:$0x1];
	s3 =	stileid.u32;
	s2 =	sand.u32 $0x1, s2  }
0x3: {  	s4 =	rddreg [dreg:$0x2];
	s3 =	sshll.u32 s3, $0x7;
	s5 =	sshll.u32 s2, $0x6  }
0x4: {  	s8 =	rddreg [dreg:$0x3];
	s9 =	sor.u32 s5, s3;
	s3 =	simm.s32 $0x0  }
0x5: {  	[smem:$0x7FF] =	sst s3;
	s6 =	sadd.s32 s9, s0;
	s0 =	sadd.s32 $0xA00, s0  }
0x6: {  	s25 =	sadd.s32 s8, s9;
	_ =	strace $0x80000047;
	[dreg:$0x14] =	wrdreg s0  }
0x7: {  	s26 =	simm.s32 $0x18280;
	[dreg:$0xd] =	wrdreg s25  }
0x8: {  	s28 =	simm.s32 $0x100;
	[dreg:$0xe] =	wrdreg s26  }
0x9: {  	s29 =	simm.s32 $0x18300;
	[dreg:$0xf] =	wrdreg s28  }
0xa: {  	s30 =	simm.s32 $0x180;
	s31 =	simm.s32 $0x18380;
	[dreg:$0x10] =	wrdreg s29  }
0xb: {  	s12 =	simm.s32 $0x1;
	s5 =	smul.u32 $0x300, s9;
	[dreg:$0x11] =	wrdreg s30  }
0xc: {  	s7 =	smul.u32 $0x1800, s9;
	s6 =	sadd.s32 $0x200, s6;
	[dreg:$0x12] =	wrdreg s31  }
0xd: {  	s13 =	simm.s32 $0x2;
	s10 =	sadd.s32 s4, s5;
	[dreg:$0x5] =	wrdreg s6  }
0xe: {  	s17 =	sshrl.u32 s7, $0x3;
	s5 =	sadd.s32 $0x1800, s10;
	[dreg:$0x13] =	wrdreg s10  }
0xf: {  	s18 =	sadd.s32 $0x3000, s10;
	s4 =	sadd.s32 s4, s17;
	[dreg:$0x6] =	wrdreg s5  }
0x10: {  	s14 =	simm.s32 $0x3;
	[dreg:$0x7] =	wrdreg s18;
	s19 =	sadd.s32 $0x4800, s4  }
0x11: {  	s2 =	ssub.s32 $0x2, s2;
	s20 =	sadd.s32 $0x6000, s4;
	[dreg:$0x8] =	wrdreg s19  }
0x12: {  	s21 =	sshrl.u32 s2, $0x1;
	s22 =	sadd.s32 $0x7800, s4;
	[dreg:$0x9] =	wrdreg s20  }
0x13: {  	v2 =	vlaneseq.u32;
	s2 =	ssub.s32 s2, s21;
	s23 =	sadd.s32 $0x9000, s4;
	[dreg:$0xa] =	wrdreg s22  }
0x14: {  	vm0 =	vmmov $0xffff;
	v1 =	vshrl.u32 v2, $0x3;
	s8 =	smax.u32 s2, $0x1;
	s24 =	sadd.s32 $0xA800, s4;
	[dreg:$0xb] =	wrdreg s23  }
0x15: {  	v0 =	vand.u32 $0x7, v2;
	v2 =	vor.u32 $0x8, v2;
	v1 =	vmul.u32 $0x8, v1;
	s6 =	sadd.s32 $0x100, s1;
	s7 =	sadd.s32 $0x200, s1;
	[dreg:$0xc] =	wrdreg s24  }
.LBB2_1:
0x16: {  	s15 =	rddreg [dreg:$0x5];
	s24 =	simm.s32 $0x4  }
0x17: {  	[tilespmem:s3], [sflag:$0x4] =	stream.linear.gather [hbm4b:s15+s3], $0x200, $0x38;
	[tilespmem:$0x18400] =	vst v63  }
0x18: {  	_ =	swait.ge [sflag:s24], $0x200  }
0x19: {  	[sflag:s24] =	ssyncset.done $0x0  }
0x1a: {  	[sflag:s24] =	ssyncadd.s32 $0xFFFFFE00  }
0x1b: {  	v3 =	vld [tilespmem:$0x0];
	_ =	sdelay $0x4  }
0x1c: {  	v4 =	vshrl.u32 v3, $0x3  }
0x1d: {  	v4 =	vmul.u32 $0x30, v4  }
0x1e: {  	v3 =	vand.u32 $0x7, v3  }
0x1f: {  	v3 =	vor.u32 v3, v4  }
0x20: {  	v4 =	vperm.xlane v3, v0;
	_ =	sdelay $0x1  }
0x21: {  	v4 =	vadd.s32 v1, v4;
	_ =	sdelay $0x3  }
0x22: {  	s0 =	simm.s32 $0x200;
	v3 =	vperm.xlane v3, v2  }
0x23: {  	[tilespmem:s0], [sflag:$0x1] =	stream.indirect_vreg.gather [hbm4b:s1+s3], $0x80, v4, vm0, $0xb8;
	[tilespmem:$0x18400] =	vst v63  }
0x24: {  	s25 =	simm.s32 $0xA00;
	v3 =	vadd.s32 v1, v3  }
0x25: {  	[tilespmem:s25], [sflag:$0x1] =	stream.indirect_vreg.gather [hbm4b:s6+s3], $0x80, v4, vm0, $0xb8;
	[tilespmem:$0x18400] =	vst v63  }
0x26: {  	s26 =	simm.s32 $0x1200  }
0x27: {  	[tilespmem:s26], [sflag:$0x1] =	stream.indirect_vreg.gather [hbm4b:s7+s3], $0x80, v4, vm0, $0xb8;
	[tilespmem:$0x18400] =	vst v63  }
0x28: {  	s28 =	simm.s32 $0x1A00  }
0x29: {  	[tilespmem:s28], [sflag:$0x1] =	stream.indirect_vreg.gather [hbm4b:s1+s3], $0x80, v3, vm0, $0xb8;
	[tilespmem:$0x18400] =	vst v63  }
0x2a: {  	s29 =	simm.s32 $0x2200  }
0x2b: {  	[tilespmem:s29], [sflag:$0x1] =	stream.indirect_vreg.gather [hbm4b:s6+s3], $0x80, v3, vm0, $0xb8;
	[tilespmem:$0x18400] =	vst v63  }
0x2c: {  	s30 =	simm.s32 $0x2A00  }
0x2d: {  	[tilespmem:s30], [sflag:$0x1] =	stream.indirect_vreg.gather [hbm4b:s7+s3], $0x80, v3, vm0, $0xb8;
	[tilespmem:$0x18400] =	vst v63  }
0x2e: {  	v3 =	vld [tilespmem:$0x10];
	_ =	sdelay $0x4  }
0x2f: {  	v33 =	vshrl.u32 v3, $0x3  }
0x30: {  	v4 =	vmul.u32 $0x30, v33  }
0x31: {  	v3 =	vand.u32 $0x7, v3  }
0x32: {  	v3 =	vor.u32 v3, v4  }
0x33: {  	v4 =	vperm.xlane v3, v0;
	_ =	sdelay $0x1  }
0x34: {  	v4 =	vadd.s32 v1, v4;
	_ =	sdelay $0x3  }
0x35: {  	s31 =	simm.s32 $0x3200;
	v3 =	vperm.xlane v3, v2  }
0x36: {  	[tilespmem:s31], [sflag:$0x1] =	stream.indirect_vreg.gather [hbm4b:s1+s3], $0x80, v4, vm0, $0xb8;
	[tilespmem:$0x18400] =	vst v63  }
0x37: {  	s2 =	simm.s32 $0x3A00;
	v3 =	vadd.s32 v1, v3  }
0x38: {  	[tilespmem:s2], [sflag:$0x1] =	stream.indirect_vreg.gather [hbm4b:s6+s3], $0x80, v4, vm0, $0xb8;
	[tilespmem:$0x18400] =	vst v63  }
0x39: {  	s4 =	simm.s32 $0x4200  }
0x3a: {  	[tilespmem:s4], [sflag:$0x1] =	stream.indirect_vreg.gather [hbm4b:s7+s3], $0x80, v4, vm0, $0xb8;
	[tilespmem:$0x18400] =	vst v63  }
0x3b: {  	s15 =	simm.s32 $0x4A00  }
0x3c: {  	[tilespmem:s15], [sflag:$0x1] =	stream.indirect_vreg.gather [hbm4b:s1+s3], $0x80, v3, vm0, $0xb8;
	[tilespmem:$0x18400] =	vst v63  }
0x3d: {  	s16 =	simm.s32 $0x5200  }
0x3e: {  	[tilespmem:s16], [sflag:$0x1] =	stream.indirect_vreg.gather [hbm4b:s6+s3], $0x80, v3, vm0, $0xb8;
	[tilespmem:$0x18400] =	vst v63  }
0x3f: {  	s17 =	simm.s32 $0x5A00  }
0x40: {  	[tilespmem:s17], [sflag:$0x1] =	stream.indirect_vreg.gather [hbm4b:s7+s3], $0x80, v3, vm0, $0xb8;
	[tilespmem:$0x18400] =	vst v63  }
0x41: {  	v3 =	vld [tilespmem:$0x20];
	_ =	sdelay $0x4  }
0x42: {  	v34 =	vshrl.u32 v3, $0x3  }
0x43: {  	v4 =	vmul.u32 $0x30, v34  }
0x44: {  	v3 =	vand.u32 $0x7, v3  }
0x45: {  	v3 =	vor.u32 v3, v4  }
0x46: {  	v4 =	vperm.xlane v3, v0;
	_ =	sdelay $0x1  }
0x47: {  	v4 =	vadd.s32 v1, v4;
	_ =	sdelay $0x3  }
0x48: {  	s18 =	simm.s32 $0x6200;
	v3 =	vperm.xlane v3, v2  }
0x49: {  	[tilespmem:s18], [sflag:$0x1] =	stream.indirect_vreg.gather [hbm4b:s1+s3], $0x80, v4, vm0, $0xb8;
	[tilespmem:$0x18400] =	vst v63  }
0x4a: {  	s19 =	simm.s32 $0x6A00;
	v3 =	vadd.s32 v1, v3  }
0x4b: {  	[tilespmem:s19], [sflag:$0x1] =	stream.indirect_vreg.gather [hbm4b:s6+s3], $0x80, v4, vm0, $0xb8;
	[tilespmem:$0x18400] =	vst v63  }
0x4c: {  	s20 =	simm.s32 $0x7200  }
0x4d: {  	[tilespmem:s20], [sflag:$0x1] =	stream.indirect_vreg.gather [hbm4b:s7+s3], $0x80, v4, vm0, $0xb8;
	[tilespmem:$0x18400] =	vst v63  }
0x4e: {  	s23 =	simm.s32 $0x7A00  }
0x4f: {  	[tilespmem:s23], [sflag:$0x1] =	stream.indirect_vreg.gather [hbm4b:s1+s3], $0x80, v3, vm0, $0xb8;
	[tilespmem:$0x18400] =	vst v63  }
0x50: {  	s24 =	simm.s32 $0x8200  }
0x51: {  	[tilespmem:s24], [sflag:$0x1] =	stream.indirect_vreg.gather [hbm4b:s6+s3], $0x80, v3, vm0, $0xb8;
	[tilespmem:$0x18400] =	vst v63  }
0x52: {  	s29 =	simm.s32 $0x8A00  }
0x53: {  	[tilespmem:s29], [sflag:$0x1] =	stream.indirect_vreg.gather [hbm4b:s7+s3], $0x80, v3, vm0, $0xb8;
	[tilespmem:$0x18400] =	vst v63  }
0x54: {  	v3 =	vld [tilespmem:$0x30];
	_ =	sdelay $0x4  }
0x55: {  	v35 =	vshrl.u32 v3, $0x3  }
0x56: {  	v4 =	vmul.u32 $0x30, v35  }
0x57: {  	v3 =	vand.u32 $0x7, v3  }
0x58: {  	v3 =	vor.u32 v3, v4  }
0x59: {  	v4 =	vperm.xlane v3, v0;
	_ =	sdelay $0x1  }
0x5a: {  	v4 =	vadd.s32 v1, v4;
	_ =	sdelay $0x3  }
0x5b: {  	s2 =	simm.s32 $0x9200;
	v3 =	vperm.xlane v3, v2  }
0x5c: {  	[tilespmem:s2], [sflag:$0x1] =	stream.indirect_vreg.gather [hbm4b:s1+s3], $0x80, v4, vm0, $0xb8;
	[tilespmem:$0x18400] =	vst v63  }
0x5d: {  	s4 =	simm.s32 $0x9A00;
	v3 =	vadd.s32 v1, v3  }
0x5e: {  	[tilespmem:s4], [sflag:$0x1] =	stream.indirect_vreg.gather [hbm4b:s6+s3], $0x80, v4, vm0, $0xb8;
	[tilespmem:$0x18400] =	vst v63  }
0x5f: {  	s15 =	simm.s32 $0xA200  }
0x60: {  	[tilespmem:s15], [sflag:$0x1] =	stream.indirect_vreg.gather [hbm4b:s7+s3], $0x80, v4, vm0, $0xb8;
	[tilespmem:$0x18400] =	vst v63  }
0x61: {  	s16 =	simm.s32 $0xAA00  }
0x62: {  	[tilespmem:s16], [sflag:$0x1] =	stream.indirect_vreg.gather [hbm4b:s1+s3], $0x80, v3, vm0, $0xb8;
	[tilespmem:$0x18400] =	vst v63  }
0x63: {  	s17 =	simm.s32 $0xB200  }
0x64: {  	[tilespmem:s17], [sflag:$0x1] =	stream.indirect_vreg.gather [hbm4b:s6+s3], $0x80, v3, vm0, $0xb8;
	[tilespmem:$0x18400] =	vst v63  }
0x65: {  	s18 =	simm.s32 $0xBA00  }
0x66: {  	[tilespmem:s18], [sflag:$0x1] =	stream.indirect_vreg.gather [hbm4b:s7+s3], $0x80, v3, vm0, $0xb8;
	[tilespmem:$0x18400] =	vst v63  }
0x67: {  	v3 =	vld [tilespmem:$0x40];
	_ =	sdelay $0x4  }
0x68: {  	v36 =	vshrl.u32 v3, $0x3  }
0x69: {  	v4 =	vmul.u32 $0x30, v36  }
0x6a: {  	v3 =	vand.u32 $0x7, v3  }
0x6b: {  	v3 =	vor.u32 v3, v4  }
0x6c: {  	v4 =	vperm.xlane v3, v0;
	_ =	sdelay $0x1  }
0x6d: {  	v4 =	vadd.s32 v1, v4;
	_ =	sdelay $0x3  }
0x6e: {  	s19 =	simm.s32 $0xC200;
	v3 =	vperm.xlane v3, v2  }
0x6f: {  	[tilespmem:s19], [sflag:$0x1] =	stream.indirect_vreg.gather [hbm4b:s1+s3], $0x80, v4, vm0, $0xb8;
	[tilespmem:$0x18400] =	vst v63  }
0x70: {  	s20 =	simm.s32 $0xCA00;
	v3 =	vadd.s32 v1, v3  }
0x71: {  	[tilespmem:s20], [sflag:$0x1] =	stream.indirect_vreg.gather [hbm4b:s6+s3], $0x80, v4, vm0, $0xb8;
	[tilespmem:$0x18400] =	vst v63  }
0x72: {  	s23 =	simm.s32 $0xD200  }
0x73: {  	[tilespmem:s23], [sflag:$0x1] =	stream.indirect_vreg.gather [hbm4b:s7+s3], $0x80, v4, vm0, $0xb8;
	[tilespmem:$0x18400] =	vst v63  }
0x74: {  	s24 =	simm.s32 $0xDA00  }
0x75: {  	[tilespmem:s24], [sflag:$0x1] =	stream.indirect_vreg.gather [hbm4b:s1+s3], $0x80, v3, vm0, $0xb8;
	[tilespmem:$0x18400] =	vst v63  }
0x76: {  	s29 =	simm.s32 $0xE200  }
0x77: {  	[tilespmem:s29], [sflag:$0x1] =	stream.indirect_vreg.gather [hbm4b:s6+s3], $0x80, v3, vm0, $0xb8;
	[tilespmem:$0x18400] =	vst v63  }
0x78: {  	s2 =	simm.s32 $0xEA00  }
0x79: {  	[tilespmem:s2], [sflag:$0x1] =	stream.indirect_vreg.gather [hbm4b:s7+s3], $0x80, v3, vm0, $0xb8;
	[tilespmem:$0x18400] =	vst v63  }
0x7a: {  	v3 =	vld [tilespmem:$0x50];
	_ =	sdelay $0x4  }
0x7b: {  	v37 =	vshrl.u32 v3, $0x3  }
0x7c: {  	v4 =	vmul.u32 $0x30, v37  }
0x7d: {  	v3 =	vand.u32 $0x7, v3  }
0x7e: {  	v3 =	vor.u32 v3, v4  }
0x7f: {  	v4 =	vperm.xlane v3, v0;
	_ =	sdelay $0x1  }
0x80: {  	v4 =	vadd.s32 v1, v4;
	_ =	sdelay $0x3  }
0x81: {  	s4 =	simm.s32 $0xF200;
	v3 =	vperm.xlane v3, v2  }
0x82: {  	[tilespmem:s4], [sflag:$0x1] =	stream.indirect_vreg.gather [hbm4b:s1+s3], $0x80, v4, vm0, $0xb8;
	[tilespmem:$0x18400] =	vst v63  }
0x83: {  	s15 =	simm.s32 $0xFA00;
	v3 =	vadd.s32 v1, v3  }
0x84: {  	[tilespmem:s15], [sflag:$0x1] =	stream.indirect_vreg.gather [hbm4b:s6+s3], $0x80, v4, vm0, $0xb8;
	[tilespmem:$0x18400] =	vst v63  }
0x85: {  	s16 =	simm.s32 $0x10200  }
0x86: {  	[tilespmem:s16], [sflag:$0x1] =	stream.indirect_vreg.gather [hbm4b:s7+s3], $0x80, v4, vm0, $0xb8;
	[tilespmem:$0x18400] =	vst v63  }
0x87: {  	s17 =	simm.s32 $0x10A00  }
0x88: {  	[tilespmem:s17], [sflag:$0x1] =	stream.indirect_vreg.gather [hbm4b:s1+s3], $0x80, v3, vm0, $0xb8;
	[tilespmem:$0x18400] =	vst v63  }
0x89: {  	s18 =	simm.s32 $0x11200  }
0x8a: {  	[tilespmem:s18], [sflag:$0x1] =	stream.indirect_vreg.gather [hbm4b:s6+s3], $0x80, v3, vm0, $0xb8;
	[tilespmem:$0x18400] =	vst v63  }
0x8b: {  	s19 =	simm.s32 $0x11A00  }
0x8c: {  	[tilespmem:s19], [sflag:$0x1] =	stream.indirect_vreg.gather [hbm4b:s7+s3], $0x80, v3, vm0, $0xb8;
	[tilespmem:$0x18400] =	vst v63  }
0x8d: {  	v3 =	vld [tilespmem:$0x60];
	_ =	sdelay $0x4  }
0x8e: {  	v38 =	vshrl.u32 v3, $0x3  }
0x8f: {  	v4 =	vmul.u32 $0x30, v38  }
0x90: {  	v3 =	vand.u32 $0x7, v3  }
0x91: {  	v3 =	vor.u32 v3, v4  }
0x92: {  	v4 =	vperm.xlane v3, v0;
	_ =	sdelay $0x1  }
0x93: {  	v4 =	vadd.s32 v1, v4;
	_ =	sdelay $0x3  }
0x94: {  	s20 =	simm.s32 $0x12200;
	v3 =	vperm.xlane v3, v2  }
0x95: {  	[tilespmem:s20], [sflag:$0x1] =	stream.indirect_vreg.gather [hbm4b:s1+s3], $0x80, v4, vm0, $0xb8;
	[tilespmem:$0x18400] =	vst v63  }
0x96: {  	s23 =	simm.s32 $0x12A00;
	v3 =	vadd.s32 v1, v3  }
0x97: {  	[tilespmem:s23], [sflag:$0x1] =	stream.indirect_vreg.gather [hbm4b:s6+s3], $0x80, v4, vm0, $0xb8;
	[tilespmem:$0x18400] =	vst v63  }
0x98: {  	s24 =	simm.s32 $0x13200  }
0x99: {  	[tilespmem:s24], [sflag:$0x1] =	stream.indirect_vreg.gather [hbm4b:s7+s3], $0x80, v4, vm0, $0xb8;
	[tilespmem:$0x18400] =	vst v63  }
0x9a: {  	s29 =	simm.s32 $0x13A00  }
0x9b: {  	[tilespmem:s29], [sflag:$0x1] =	stream.indirect_vreg.gather [hbm4b:s1+s3], $0x80, v3, vm0, $0xb8;
	[tilespmem:$0x18400] =	vst v63  }
0x9c: {  	s15 =	simm.s32 $0x14200  }
0x9d: {  	[tilespmem:s15], [sflag:$0x1] =	stream.indirect_vreg.gather [hbm4b:s6+s3], $0x80, v3, vm0, $0xb8;
	[tilespmem:$0x18400] =	vst v63  }
0x9e: {  	s16 =	simm.s32 $0x14A00  }
0x9f: {  	[tilespmem:s16], [sflag:$0x1] =	stream.indirect_vreg.gather [hbm4b:s7+s3], $0x80, v3, vm0, $0xb8;
	[tilespmem:$0x18400] =	vst v63  }
0xa0: {  	v3 =	vld [tilespmem:$0x70];
	_ =	sdelay $0x4  }
0xa1: {  	v39 =	vshrl.u32 v3, $0x3  }
0xa2: {  	v4 =	vmul.u32 $0x30, v39  }
0xa3: {  	v3 =	vand.u32 $0x7, v3  }
0xa4: {  	v3 =	vor.u32 v3, v4  }
0xa5: {  	v4 =	vperm.xlane v3, v0;
	_ =	sdelay $0x1  }
0xa6: {  	v4 =	vadd.s32 v1, v4;
	_ =	sdelay $0x3  }
0xa7: {  	s17 =	simm.s32 $0x15200;
	v3 =	vperm.xlane v3, v2  }
0xa8: {  	[tilespmem:s17], [sflag:$0x1] =	stream.indirect_vreg.gather [hbm4b:s1+s3], $0x80, v4, vm0, $0xb8;
	[tilespmem:$0x18400] =	vst v63  }
0xa9: {  	s18 =	simm.s32 $0x15A00;
	v3 =	vadd.s32 v1, v3  }
0xaa: {  	[tilespmem:s18], [sflag:$0x1] =	stream.indirect_vreg.gather [hbm4b:s6+s3], $0x80, v4, vm0, $0xb8;
	[tilespmem:$0x18400] =	vst v63  }
0xab: {  	s29 =	simm.s32 $0x16200  }
0xac: {  	[tilespmem:s29], [sflag:$0x1] =	stream.indirect_vreg.gather [hbm4b:s7+s3], $0x80, v4, vm0, $0xb8;
	[tilespmem:$0x18400] =	vst v63  }
0xad: {  	s15 =	simm.s32 $0x16A00  }
0xae: {  	[tilespmem:s15], [sflag:$0x1] =	stream.indirect_vreg.gather [hbm4b:s1+s3], $0x80, v3, vm0, $0xb8;
	[tilespmem:$0x18400] =	vst v63  }
0xaf: {  	s16 =	simm.s32 $0x17200;
	s18 =	rddreg [dreg:$0xe]  }
0xb0: {  	[tilespmem:s16], [sflag:$0x1] =	stream.indirect_vreg.gather [hbm4b:s6+s3], $0x80, v3, vm0, $0xb8;
	[tilespmem:$0x18400] =	vst v63  }
0xb1: {  	s17 =	simm.s32 $0x17A00;
	s29 =	rddreg [dreg:$0x14]  }
0xb2: {  	[tilespmem:s17], [sflag:$0x1] =	stream.indirect_vreg.gather [hbm4b:s7+s3], $0x80, v3, vm0, $0xb8;
	[tilespmem:$0x18400] =	vst v63  }
0xb3: {  	s0 =	simm.s32 $0x80;
	s15 =	rddreg [dreg:$0xf];
	s16 =	simm.s32 $0x18200  }
0xb4: {  	[tilespmem:s16], [sflag:$0x3] =	stream.indirect.gather [hbm4b:s29+s0], $0x1, s3, s0, $0xb8;
	[tilespmem:$0x18400] =	vst v63  }
0xb5: {  	s17 =	rddreg [dreg:$0x11]  }
0xb6: {  	[tilespmem:s18], [sflag:$0x3] =	stream.indirect.gather [hbm4b:s29+s0], $0x1, s0, s0, $0xb8;
	[tilespmem:$0x18400] =	vst v63  }
0xb7: {  	s16 =	rddreg [dreg:$0x10]  }
0xb8: {  	[tilespmem:s16], [sflag:$0x3] =	stream.indirect.gather [hbm4b:s29+s0], $0x1, s15, s0, $0xb8;
	[tilespmem:$0x18400] =	vst v63  }
0xb9: {  	s18 =	rddreg [dreg:$0x12]  }
0xba: {  	[tilespmem:s18], [sflag:$0x3] =	stream.indirect.gather [hbm4b:s29+s0], $0x1, s17, s0, $0xb8;
	[tilespmem:$0x18400] =	vst v63  }
0xbb: {  	_ =	swait.ge [sflag:s12], $0xC000  }
0xbc: {  	[sflag:s12] =	ssyncset.done $0x0  }
0xbd: {  	s16 =	simm.s32 $0x200;
	s0 =	rddreg [dreg:$0x13];
	[sflag:s12] =	ssyncadd.s32 $0xFFFF4000  }
0xbe: {  	[hbm4b:s0+s3] =	stream.linear.scatter [tilespmem:s16], [sflag:$0x2], $0xC000, $0x38;
	[tilespmem:$0x18400] =	vst v63  }
0xbf: {  	_ =	swait.ge [sflag:s13], $0xC000  }
0xc0: {  	[sflag:s13] =	ssyncset.done $0x0  }
0xc1: {  	[sflag:s13] =	ssyncadd.s32 $0xFFFF4000  }
0xc2: {  	v3 =	vld [tilespmem:$0x80];
	_ =	sdelay $0x4  }
0xc3: {  	v40 =	vshrl.u32 v3, $0x3  }
0xc4: {  	v4 =	vmul.u32 $0x30, v40  }
0xc5: {  	v3 =	vand.u32 $0x7, v3  }
0xc6: {  	v3 =	vor.u32 v3, v4  }
0xc7: {  	v4 =	vperm.xlane v3, v0;
	_ =	sdelay $0x1  }
0xc8: {  	v4 =	vadd.s32 v1, v4;
	_ =	sdelay $0x3  }
0xc9: {  	v3 =	vperm.xlane v3, v2  }
0xca: {  	[tilespmem:s16], [sflag:$0x1] =	stream.indirect_vreg.gather [hbm4b:s1+s3], $0x80, v4, vm0, $0xb8;
	[tilespmem:$0x18400] =	vst v63  }
0xcb: {  	s5 =	simm.s32 $0xA00;
	v3 =	vadd.s32 v1, v3  }
0xcc: {  	[tilespmem:s5], [sflag:$0x1] =	stream.indirect_vreg.gather [hbm4b:s6+s3], $0x80, v4, vm0, $0xb8;
	[tilespmem:$0x18400] =	vst v63  }
0xcd: {  	s11 =	simm.s32 $0x1200  }
0xce: {  	[tilespmem:s11], [sflag:$0x1] =	stream.indirect_vreg.gather [hbm4b:s7+s3], $0x80, v4, vm0, $0xb8;
	[tilespmem:$0x18400] =	vst v63  }
0xcf: {  	s21 =	simm.s32 $0x1A00  }
0xd0: {  	[tilespmem:s21], [sflag:$0x1] =	stream.indirect_vreg.gather [hbm4b:s1+s3], $0x80, v3, vm0, $0xb8;
	[tilespmem:$0x18400] =	vst v63  }
0xd1: {  	s22 =	simm.s32 $0x2200  }
0xd2: {  	[tilespmem:s22], [sflag:$0x1] =	stream.indirect_vreg.gather [hbm4b:s6+s3], $0x80, v3, vm0, $0xb8;
	[tilespmem:$0x18400] =	vst v63  }
0xd3: {  	s9 =	simm.s32 $0x2A00  }
0xd4: {  	[tilespmem:s9], [sflag:$0x1] =	stream.indirect_vreg.gather [hbm4b:s7+s3], $0x80, v3, vm0, $0xb8;
	[tilespmem:$0x18400] =	vst v63  }
0xd5: {  	v3 =	vld [tilespmem:$0x90];
	_ =	sdelay $0x4  }
0xd6: {  	v41 =	vshrl.u32 v3, $0x3  }
0xd7: {  	v4 =	vmul.u32 $0x30, v41  }
0xd8: {  	v3 =	vand.u32 $0x7, v3  }
0xd9: {  	v3 =	vor.u32 v3, v4  }
0xda: {  	v4 =	vperm.xlane v3, v0;
	_ =	sdelay $0x1  }
0xdb: {  	v4 =	vadd.s32 v1, v4;
	_ =	sdelay $0x3  }
0xdc: {  	s10 =	simm.s32 $0x3200;
	v3 =	vperm.xlane v3, v2  }
0xdd: {  	[tilespmem:s10], [sflag:$0x1] =	stream.indirect_vreg.gather [hbm4b:s1+s3], $0x80, v4, vm0, $0xb8;
	[tilespmem:$0x18400] =	vst v63  }
0xde: {  	s25 =	simm.s32 $0x3A00;
	v3 =	vadd.s32 v1, v3  }
0xdf: {  	[tilespmem:s25], [sflag:$0x1] =	stream.indirect_vreg.gather [hbm4b:s6+s3], $0x80, v4, vm0, $0xb8;
	[tilespmem:$0x18400] =	vst v63  }
0xe0: {  	s26 =	simm.s32 $0x4200  }
0xe1: {  	[tilespmem:s26], [sflag:$0x1] =	stream.indirect_vreg.gather [hbm4b:s7+s3], $0x80, v4, vm0, $0xb8;
	[tilespmem:$0x18400] =	vst v63  }
0xe2: {  	s28 =	simm.s32 $0x4A00  }
0xe3: {  	[tilespmem:s28], [sflag:$0x1] =	stream.indirect_vreg.gather [hbm4b:s1+s3], $0x80, v3, vm0, $0xb8;
	[tilespmem:$0x18400] =	vst v63  }
0xe4: {  	s29 =	simm.s32 $0x5200  }
0xe5: {  	[tilespmem:s29], [sflag:$0x1] =	stream.indirect_vreg.gather [hbm4b:s6+s3], $0x80, v3, vm0, $0xb8;
	[tilespmem:$0x18400] =	vst v63  }
0xe6: {  	s30 =	simm.s32 $0x5A00  }
0xe7: {  	[tilespmem:s30], [sflag:$0x1] =	stream.indirect_vreg.gather [hbm4b:s7+s3], $0x80, v3, vm0, $0xb8;
	[tilespmem:$0x18400] =	vst v63  }
0xe8: {  	v3 =	vld [tilespmem:$0xA0];
	_ =	sdelay $0x4  }
0xe9: {  	v42 =	vshrl.u32 v3, $0x3  }
0xea: {  	v4 =	vmul.u32 $0x30, v42  }
0xeb: {  	v3 =	vand.u32 $0x7, v3  }
0xec: {  	v3 =	vor.u32 v3, v4  }
0xed: {  	v4 =	vperm.xlane v3, v0;
	_ =	sdelay $0x1  }
0xee: {  	v4 =	vadd.s32 v1, v4;
	_ =	sdelay $0x3  }
0xef: {  	s31 =	simm.s32 $0x6200;
	v3 =	vperm.xlane v3, v2  }
0xf0: {  	[tilespmem:s31], [sflag:$0x1] =	stream.indirect_vreg.gather [hbm4b:s1+s3], $0x80, v4, vm0, $0xb8;
	[tilespmem:$0x18400] =	vst v63  }
0xf1: {  	s30 =	simm.s32 $0x6A00;
	v3 =	vadd.s32 v1, v3  }
0xf2: {  	[tilespmem:s30], [sflag:$0x1] =	stream.indirect_vreg.gather [hbm4b:s6+s3], $0x80, v4, vm0, $0xb8;
	[tilespmem:$0x18400] =	vst v63  }
0xf3: {  	s31 =	simm.s32 $0x7200  }
0xf4: {  	[tilespmem:s31], [sflag:$0x1] =	stream.indirect_vreg.gather [hbm4b:s7+s3], $0x80, v4, vm0, $0xb8;
	[tilespmem:$0x18400] =	vst v63  }
0xf5: {  	s10 =	simm.s32 $0x7A00  }
0xf6: {  	[tilespmem:s10], [sflag:$0x1] =	stream.indirect_vreg.gather [hbm4b:s1+s3], $0x80, v3, vm0, $0xb8;
	[tilespmem:$0x18400] =	vst v63  }
0xf7: {  	s9 =	simm.s32 $0x8200  }
0xf8: {  	[tilespmem:s9], [sflag:$0x1] =	stream.indirect_vreg.gather [hbm4b:s6+s3], $0x80, v3, vm0, $0xb8;
	[tilespmem:$0x18400] =	vst v63  }
0xf9: {  	s17 =	simm.s32 $0x8A00  }
0xfa: {  	[tilespmem:s17], [sflag:$0x1] =	stream.indirect_vreg.gather [hbm4b:s7+s3], $0x80, v3, vm0, $0xb8;
	[tilespmem:$0x18400] =	vst v63  }
0xfb: {  	v3 =	vld [tilespmem:$0xB0];
	_ =	sdelay $0x4  }
0xfc: {  	v43 =	vshrl.u32 v3, $0x3  }
0xfd: {  	v4 =	vmul.u32 $0x30, v43  }
0xfe: {  	v3 =	vand.u32 $0x7, v3  }
0xff: {  	v3 =	vor.u32 v3, v4  }
0x100: {  	v4 =	vperm.xlane v3, v0;
	_ =	sdelay $0x1  }
0x101: {  	v4 =	vadd.s32 v1, v4;
	_ =	sdelay $0x3  }
0x102: {  	s18 =	simm.s32 $0x9200;
	v3 =	vperm.xlane v3, v2  }
0x103: {  	[tilespmem:s18], [sflag:$0x1] =	stream.indirect_vreg.gather [hbm4b:s1+s3], $0x80, v4, vm0, $0xb8;
	[tilespmem:$0x18400] =	vst v63  }
0x104: {  	s21 =	simm.s32 $0x9A00;
	v3 =	vadd.s32 v1, v3  }
0x105: {  	[tilespmem:s21], [sflag:$0x1] =	stream.indirect_vreg.gather [hbm4b:s6+s3], $0x80, v4, vm0, $0xb8;
	[tilespmem:$0x18400] =	vst v63  }
0x106: {  	s22 =	simm.s32 $0xA200  }
0x107: {  	[tilespmem:s22], [sflag:$0x1] =	stream.indirect_vreg.gather [hbm4b:s7+s3], $0x80, v4, vm0, $0xb8;
	[tilespmem:$0x18400] =	vst v63  }
0x108: {  	s25 =	simm.s32 $0xAA00  }
0x109: {  	[tilespmem:s25], [sflag:$0x1] =	stream.indirect_vreg.gather [hbm4b:s1+s3], $0x80, v3, vm0, $0xb8;
	[tilespmem:$0x18400] =	vst v63  }
0x10a: {  	s26 =	simm.s32 $0xB200  }
0x10b: {  	[tilespmem:s26], [sflag:$0x1] =	stream.indirect_vreg.gather [hbm4b:s6+s3], $0x80, v3, vm0, $0xb8;
	[tilespmem:$0x18400] =	vst v63  }
0x10c: {  	s28 =	simm.s32 $0xBA00  }
0x10d: {  	[tilespmem:s28], [sflag:$0x1] =	stream.indirect_vreg.gather [hbm4b:s7+s3], $0x80, v3, vm0, $0xb8;
	[tilespmem:$0x18400] =	vst v63  }
0x10e: {  	_ =	swait.ge [sflag:s12], $0xC000  }
0x10f: {  	[sflag:s12] =	ssyncset.done $0x0  }
0x110: {  	s5 =	simm.s32 $0xC200;
	s0 =	rddreg [dreg:$0x6];
	[sflag:s12] =	ssyncadd.s32 $0xFFFF4000  }
0x111: {  	[hbm4b:s0+s3] =	stream.linear.scatter [tilespmem:s5], [sflag:$0x2], $0xC000, $0x38;
	[tilespmem:$0x18400] =	vst v63  }
0x112: {  	_ =	swait.ge [sflag:s13], $0xC000  }
0x113: {  	[sflag:s13] =	ssyncset.done $0x0  }
0x114: {  	[sflag:s13] =	ssyncadd.s32 $0xFFFF4000  }
0x115: {  	v3 =	vld [tilespmem:$0xC0];
	_ =	sdelay $0x4  }
0x116: {  	v44 =	vshrl.u32 v3, $0x3  }
0x117: {  	v4 =	vmul.u32 $0x30, v44  }
0x118: {  	v3 =	vand.u32 $0x7, v3  }
0x119: {  	v3 =	vor.u32 v3, v4  }
0x11a: {  	v4 =	vperm.xlane v3, v0;
	_ =	sdelay $0x1  }
0x11b: {  	v4 =	vadd.s32 v1, v4;
	_ =	sdelay $0x3  }
0x11c: {  	v3 =	vperm.xlane v3, v2  }
0x11d: {  	[tilespmem:s5], [sflag:$0x1] =	stream.indirect_vreg.gather [hbm4b:s1+s3], $0x80, v4, vm0, $0xb8;
	[tilespmem:$0x18400] =	vst v63  }
0x11e: {  	s11 =	simm.s32 $0xCA00;
	v3 =	vadd.s32 v1, v3  }
0x11f: {  	[tilespmem:s11], [sflag:$0x1] =	stream.indirect_vreg.gather [hbm4b:s6+s3], $0x80, v4, vm0, $0xb8;
	[tilespmem:$0x18400] =	vst v63  }
0x120: {  	s16 =	simm.s32 $0xD200  }
0x121: {  	[tilespmem:s16], [sflag:$0x1] =	stream.indirect_vreg.gather [hbm4b:s7+s3], $0x80, v4, vm0, $0xb8;
	[tilespmem:$0x18400] =	vst v63  }
0x122: {  	s17 =	simm.s32 $0xDA00  }
0x123: {  	[tilespmem:s17], [sflag:$0x1] =	stream.indirect_vreg.gather [hbm4b:s1+s3], $0x80, v3, vm0, $0xb8;
	[tilespmem:$0x18400] =	vst v63  }
0x124: {  	s18 =	simm.s32 $0xE200  }
0x125: {  	[tilespmem:s18], [sflag:$0x1] =	stream.indirect_vreg.gather [hbm4b:s6+s3], $0x80, v3, vm0, $0xb8;
	[tilespmem:$0x18400] =	vst v63  }
0x126: {  	s2 =	simm.s32 $0xEA00  }
0x127: {  	[tilespmem:s2], [sflag:$0x1] =	stream.indirect_vreg.gather [hbm4b:s7+s3], $0x80, v3, vm0, $0xb8;
	[tilespmem:$0x18400] =	vst v63  }
0x128: {  	v3 =	vld [tilespmem:$0xD0];
	_ =	sdelay $0x4  }
0x129: {  	v45 =	vshrl.u32 v3, $0x3  }
0x12a: {  	v4 =	vmul.u32 $0x30, v45  }
0x12b: {  	v3 =	vand.u32 $0x7, v3  }
0x12c: {  	v3 =	vor.u32 v3, v4  }
0x12d: {  	v4 =	vperm.xlane v3, v0;
	_ =	sdelay $0x1  }
0x12e: {  	v4 =	vadd.s32 v1, v4;
	_ =	sdelay $0x3  }
0x12f: {  	s4 =	simm.s32 $0xF200;
	v3 =	vperm.xlane v3, v2  }
0x130: {  	[tilespmem:s4], [sflag:$0x1] =	stream.indirect_vreg.gather [hbm4b:s1+s3], $0x80, v4, vm0, $0xb8;
	[tilespmem:$0x18400] =	vst v63  }
0x131: {  	s2 =	simm.s32 $0xFA00;
	v3 =	vadd.s32 v1, v3  }
0x132: {  	[tilespmem:s2], [sflag:$0x1] =	stream.indirect_vreg.gather [hbm4b:s6+s3], $0x80, v4, vm0, $0xb8;
	[tilespmem:$0x18400] =	vst v63  }
0x133: {  	s4 =	simm.s32 $0x10200  }
0x134: {  	[tilespmem:s4], [sflag:$0x1] =	stream.indirect_vreg.gather [hbm4b:s7+s3], $0x80, v4, vm0, $0xb8;
	[tilespmem:$0x18400] =	vst v63  }
0x135: {  	s5 =	simm.s32 $0x10A00  }
0x136: {  	[tilespmem:s5], [sflag:$0x1] =	stream.indirect_vreg.gather [hbm4b:s1+s3], $0x80, v3, vm0, $0xb8;
	[tilespmem:$0x18400] =	vst v63  }
0x137: {  	s11 =	simm.s32 $0x11200  }
0x138: {  	[tilespmem:s11], [sflag:$0x1] =	stream.indirect_vreg.gather [hbm4b:s6+s3], $0x80, v3, vm0, $0xb8;
	[tilespmem:$0x18400] =	vst v63  }
0x139: {  	s19 =	simm.s32 $0x11A00  }
0x13a: {  	[tilespmem:s19], [sflag:$0x1] =	stream.indirect_vreg.gather [hbm4b:s7+s3], $0x80, v3, vm0, $0xb8;
	[tilespmem:$0x18400] =	vst v63  }
0x13b: {  	v3 =	vld [tilespmem:$0xE0];
	_ =	sdelay $0x4  }
0x13c: {  	v46 =	vshrl.u32 v3, $0x3  }
0x13d: {  	v4 =	vmul.u32 $0x30, v46  }
0x13e: {  	v3 =	vand.u32 $0x7, v3  }
0x13f: {  	v3 =	vor.u32 v3, v4  }
0x140: {  	v4 =	vperm.xlane v3, v0;
	_ =	sdelay $0x1  }
0x141: {  	v4 =	vadd.s32 v1, v4;
	_ =	sdelay $0x3  }
0x142: {  	s20 =	simm.s32 $0x12200;
	v3 =	vperm.xlane v3, v2  }
0x143: {  	[tilespmem:s20], [sflag:$0x1] =	stream.indirect_vreg.gather [hbm4b:s1+s3], $0x80, v4, vm0, $0xb8;
	[tilespmem:$0x18400] =	vst v63  }
0x144: {  	s19 =	simm.s32 $0x12A00;
	v3 =	vadd.s32 v1, v3  }
0x145: {  	[tilespmem:s19], [sflag:$0x1] =	stream.indirect_vreg.gather [hbm4b:s6+s3], $0x80, v4, vm0, $0xb8;
	[tilespmem:$0x18400] =	vst v63  }
0x146: {  	s20 =	simm.s32 $0x13200  }
0x147: {  	[tilespmem:s20], [sflag:$0x1] =	stream.indirect_vreg.gather [hbm4b:s7+s3], $0x80, v4, vm0, $0xb8;
	[tilespmem:$0x18400] =	vst v63  }
0x148: {  	s21 =	simm.s32 $0x13A00  }
0x149: {  	[tilespmem:s21], [sflag:$0x1] =	stream.indirect_vreg.gather [hbm4b:s1+s3], $0x80, v3, vm0, $0xb8;
	[tilespmem:$0x18400] =	vst v63  }
0x14a: {  	s22 =	simm.s32 $0x14200  }
0x14b: {  	[tilespmem:s22], [sflag:$0x1] =	stream.indirect_vreg.gather [hbm4b:s6+s3], $0x80, v3, vm0, $0xb8;
	[tilespmem:$0x18400] =	vst v63  }
0x14c: {  	s23 =	simm.s32 $0x14A00  }
0x14d: {  	[tilespmem:s23], [sflag:$0x1] =	stream.indirect_vreg.gather [hbm4b:s7+s3], $0x80, v3, vm0, $0xb8;
	[tilespmem:$0x18400] =	vst v63  }
0x14e: {  	v3 =	vld [tilespmem:$0xF0];
	_ =	sdelay $0x4  }
0x14f: {  	v47 =	vshrl.u32 v3, $0x3  }
0x150: {  	v4 =	vmul.u32 $0x30, v47  }
0x151: {  	v3 =	vand.u32 $0x7, v3  }
0x152: {  	v3 =	vor.u32 v3, v4  }
0x153: {  	v4 =	vperm.xlane v3, v0;
	_ =	sdelay $0x1  }
0x154: {  	v4 =	vadd.s32 v1, v4;
	_ =	sdelay $0x3  }
0x155: {  	s24 =	simm.s32 $0x15200;
	v3 =	vperm.xlane v3, v2  }
0x156: {  	[tilespmem:s24], [sflag:$0x1] =	stream.indirect_vreg.gather [hbm4b:s1+s3], $0x80, v4, vm0, $0xb8;
	[tilespmem:$0x18400] =	vst v63  }
0x157: {  	s23 =	simm.s32 $0x15A00;
	v3 =	vadd.s32 v1, v3  }
0x158: {  	[tilespmem:s23], [sflag:$0x1] =	stream.indirect_vreg.gather [hbm4b:s6+s3], $0x80, v4, vm0, $0xb8;
	[tilespmem:$0x18400] =	vst v63  }
0x159: {  	s24 =	simm.s32 $0x16200  }
0x15a: {  	[tilespmem:s24], [sflag:$0x1] =	stream.indirect_vreg.gather [hbm4b:s7+s3], $0x80, v4, vm0, $0xb8;
	[tilespmem:$0x18400] =	vst v63  }
0x15b: {  	s25 =	simm.s32 $0x16A00  }
0x15c: {  	[tilespmem:s25], [sflag:$0x1] =	stream.indirect_vreg.gather [hbm4b:s1+s3], $0x80, v3, vm0, $0xb8;
	[tilespmem:$0x18400] =	vst v63  }
0x15d: {  	s26 =	simm.s32 $0x17200  }
0x15e: {  	[tilespmem:s26], [sflag:$0x1] =	stream.indirect_vreg.gather [hbm4b:s6+s3], $0x80, v3, vm0, $0xb8;
	[tilespmem:$0x18400] =	vst v63  }
0x15f: {  	s28 =	simm.s32 $0x17A00  }
0x160: {  	[tilespmem:s28], [sflag:$0x1] =	stream.indirect_vreg.gather [hbm4b:s7+s3], $0x80, v3, vm0, $0xb8;
	[tilespmem:$0x18400] =	vst v63  }
0x161: {  	_ =	swait.ge [sflag:s12], $0xC000  }
0x162: {  	[sflag:s12] =	ssyncset.done $0x0  }
0x163: {  	s0 =	simm.s32 $0x200;
	s15 =	rddreg [dreg:$0x7];
	[sflag:s12] =	ssyncadd.s32 $0xFFFF4000  }
0x164: {  	[hbm4b:s15+s3] =	stream.linear.scatter [tilespmem:s0], [sflag:$0x2], $0xC000, $0x38;
	[tilespmem:$0x18400] =	vst v63  }
0x165: {  	_ =	swait.ge [sflag:s13], $0xC000  }
0x166: {  	[sflag:s13] =	ssyncset.done $0x0  }
0x167: {  	[sflag:s13] =	ssyncadd.s32 $0xFFFF4000  }
0x168: {  	v3 =	vld [tilespmem:$0x100];
	_ =	sdelay $0x4  }
0x169: {  	v48 =	vshrl.u32 v3, $0x3  }
0x16a: {  	v4 =	vmul.u32 $0x30, v48  }
0x16b: {  	v3 =	vand.u32 $0x7, v3  }
0x16c: {  	v3 =	vor.u32 v3, v4  }
0x16d: {  	v4 =	vperm.xlane v3, v0;
	_ =	sdelay $0x1  }
0x16e: {  	v4 =	vadd.s32 v1, v4;
	_ =	sdelay $0x3  }
0x16f: {  	v3 =	vperm.xlane v3, v2  }
0x170: {  	[tilespmem:s0], [sflag:$0x1] =	stream.indirect_vreg.gather [hbm4b:s1+s3], $0x80, v4, vm0, $0xb8;
	[tilespmem:$0x18400] =	vst v63  }
0x171: {  	s15 =	simm.s32 $0xA00;
	v3 =	vadd.s32 v1, v3  }
0x172: {  	[tilespmem:s15], [sflag:$0x1] =	stream.indirect_vreg.gather [hbm4b:s6+s3], $0x80, v4, vm0, $0xb8;
	[tilespmem:$0x18400] =	vst v63  }
0x173: {  	s15 =	simm.s32 $0x1200  }
0x174: {  	[tilespmem:s15], [sflag:$0x1] =	stream.indirect_vreg.gather [hbm4b:s7+s3], $0x80, v4, vm0, $0xb8;
	[tilespmem:$0x18400] =	vst v63  }
0x175: {  	s15 =	simm.s32 $0x1A00  }
0x176: {  	[tilespmem:s15], [sflag:$0x1] =	stream.indirect_vreg.gather [hbm4b:s1+s3], $0x80, v3, vm0, $0xb8;
	[tilespmem:$0x18400] =	vst v63  }
0x177: {  	s15 =	simm.s32 $0x2200  }
0x178: {  	[tilespmem:s15], [sflag:$0x1] =	stream.indirect_vreg.gather [hbm4b:s6+s3], $0x80, v3, vm0, $0xb8;
	[tilespmem:$0x18400] =	vst v63  }
0x179: {  	s15 =	simm.s32 $0x2A00  }
0x17a: {  	[tilespmem:s15], [sflag:$0x1] =	stream.indirect_vreg.gather [hbm4b:s7+s3], $0x80, v3, vm0, $0xb8;
	[tilespmem:$0x18400] =	vst v63  }
0x17b: {  	v3 =	vld [tilespmem:$0x110];
	_ =	sdelay $0x4  }
0x17c: {  	v49 =	vshrl.u32 v3, $0x3  }
0x17d: {  	v4 =	vmul.u32 $0x30, v49  }
0x17e: {  	v3 =	vand.u32 $0x7, v3  }
0x17f: {  	v3 =	vor.u32 v3, v4  }
0x180: {  	v4 =	vperm.xlane v3, v0;
	_ =	sdelay $0x1  }
0x181: {  	v4 =	vadd.s32 v1, v4;
	_ =	sdelay $0x3  }
0x182: {  	s15 =	simm.s32 $0x3200;
	v3 =	vperm.xlane v3, v2  }
0x183: {  	[tilespmem:s15], [sflag:$0x1] =	stream.indirect_vreg.gather [hbm4b:s1+s3], $0x80, v4, vm0, $0xb8;
	[tilespmem:$0x18400] =	vst v63  }
0x184: {  	v3 =	vadd.s32 v1, v3;
	s15 =	simm.s32 $0x3A00  }
0x185: {  	[tilespmem:s15], [sflag:$0x1] =	stream.indirect_vreg.gather [hbm4b:s6+s3], $0x80, v4, vm0, $0xb8;
	[tilespmem:$0x18400] =	vst v63  }
0x186: {  	s15 =	simm.s32 $0x4200  }
0x187: {  	[tilespmem:s15], [sflag:$0x1] =	stream.indirect_vreg.gather [hbm4b:s7+s3], $0x80, v4, vm0, $0xb8;
	[tilespmem:$0x18400] =	vst v63  }
0x188: {  	s15 =	simm.s32 $0x4A00  }
0x189: {  	[tilespmem:s15], [sflag:$0x1] =	stream.indirect_vreg.gather [hbm4b:s1+s3], $0x80, v3, vm0, $0xb8;
	[tilespmem:$0x18400] =	vst v63  }
0x18a: {  	_ = 	snop  }
0x18b: {  	[tilespmem:s29], [sflag:$0x1] =	stream.indirect_vreg.gather [hbm4b:s6+s3], $0x80, v3, vm0, $0xb8;
	[tilespmem:$0x18400] =	vst v63  }
0x18c: {  	s15 =	simm.s32 $0x5A00  }
0x18d: {  	[tilespmem:s15], [sflag:$0x1] =	stream.indirect_vreg.gather [hbm4b:s7+s3], $0x80, v3, vm0, $0xb8;
	[tilespmem:$0x18400] =	vst v63  }
0x18e: {  	v3 =	vld [tilespmem:$0x120];
	_ =	sdelay $0x4  }
0x18f: {  	v50 =	vshrl.u32 v3, $0x3  }
0x190: {  	v4 =	vmul.u32 $0x30, v50  }
0x191: {  	v3 =	vand.u32 $0x7, v3  }
0x192: {  	v3 =	vor.u32 v3, v4  }
0x193: {  	v4 =	vperm.xlane v3, v0;
	_ =	sdelay $0x1  }
0x194: {  	v4 =	vadd.s32 v1, v4;
	_ =	sdelay $0x3  }
0x195: {  	s15 =	simm.s32 $0x6200;
	v3 =	vperm.xlane v3, v2  }
0x196: {  	[tilespmem:s15], [sflag:$0x1] =	stream.indirect_vreg.gather [hbm4b:s1+s3], $0x80, v4, vm0, $0xb8;
	[tilespmem:$0x18400] =	vst v63  }
0x197: {  	v3 =	vadd.s32 v1, v3  }
0x198: {  	[tilespmem:s30], [sflag:$0x1] =	stream.indirect_vreg.gather [hbm4b:s6+s3], $0x80, v4, vm0, $0xb8;
	[tilespmem:$0x18400] =	vst v63  }
0x199: {  	_ = 	snop  }
0x19a: {  	[tilespmem:s31], [sflag:$0x1] =	stream.indirect_vreg.gather [hbm4b:s7+s3], $0x80, v4, vm0, $0xb8;
	[tilespmem:$0x18400] =	vst v63  }
0x19b: {  	_ = 	snop  }
0x19c: {  	[tilespmem:s10], [sflag:$0x1] =	stream.indirect_vreg.gather [hbm4b:s1+s3], $0x80, v3, vm0, $0xb8;
	[tilespmem:$0x18400] =	vst v63  }
0x19d: {  	_ = 	snop  }
0x19e: {  	[tilespmem:s9], [sflag:$0x1] =	stream.indirect_vreg.gather [hbm4b:s6+s3], $0x80, v3, vm0, $0xb8;
	[tilespmem:$0x18400] =	vst v63  }
0x19f: {  	s9 =	simm.s32 $0x8A00  }
0x1a0: {  	[tilespmem:s9], [sflag:$0x1] =	stream.indirect_vreg.gather [hbm4b:s7+s3], $0x80, v3, vm0, $0xb8;
	[tilespmem:$0x18400] =	vst v63  }
0x1a1: {  	v3 =	vld [tilespmem:$0x130];
	_ =	sdelay $0x4  }
0x1a2: {  	v51 =	vshrl.u32 v3, $0x3  }
0x1a3: {  	v4 =	vmul.u32 $0x30, v51  }
0x1a4: {  	v3 =	vand.u32 $0x7, v3  }
0x1a5: {  	v3 =	vor.u32 v3, v4  }
0x1a6: {  	v4 =	vperm.xlane v3, v0;
	_ =	sdelay $0x1  }
0x1a7: {  	v4 =	vadd.s32 v1, v4;
	_ =	sdelay $0x3  }
0x1a8: {  	s0 =	simm.s32 $0x9200;
	v3 =	vperm.xlane v3, v2  }
0x1a9: {  	[tilespmem:s0], [sflag:$0x1] =	stream.indirect_vreg.gather [hbm4b:s1+s3], $0x80, v4, vm0, $0xb8;
	[tilespmem:$0x18400] =	vst v63  }
0x1aa: {  	s9 =	simm.s32 $0x9A00;
	v3 =	vadd.s32 v1, v3  }
0x1ab: {  	[tilespmem:s9], [sflag:$0x1] =	stream.indirect_vreg.gather [hbm4b:s6+s3], $0x80, v4, vm0, $0xb8;
	[tilespmem:$0x18400] =	vst v63  }
0x1ac: {  	s0 =	simm.s32 $0xA200  }
0x1ad: {  	[tilespmem:s0], [sflag:$0x1] =	stream.indirect_vreg.gather [hbm4b:s7+s3], $0x80, v4, vm0, $0xb8;
	[tilespmem:$0x18400] =	vst v63  }
0x1ae: {  	s9 =	simm.s32 $0xAA00  }
0x1af: {  	[tilespmem:s9], [sflag:$0x1] =	stream.indirect_vreg.gather [hbm4b:s1+s3], $0x80, v3, vm0, $0xb8;
	[tilespmem:$0x18400] =	vst v63  }
0x1b0: {  	s0 =	simm.s32 $0xB200  }
0x1b1: {  	[tilespmem:s0], [sflag:$0x1] =	stream.indirect_vreg.gather [hbm4b:s6+s3], $0x80, v3, vm0, $0xb8;
	[tilespmem:$0x18400] =	vst v63  }
0x1b2: {  	s9 =	simm.s32 $0xBA00  }
0x1b3: {  	[tilespmem:s9], [sflag:$0x1] =	stream.indirect_vreg.gather [hbm4b:s7+s3], $0x80, v3, vm0, $0xb8;
	[tilespmem:$0x18400] =	vst v63  }
0x1b4: {  	_ =	swait.ge [sflag:s12], $0xC000  }
0x1b5: {  	[sflag:s12] =	ssyncset.done $0x0  }
0x1b6: {  	s9 =	simm.s32 $0xC200;
	s0 =	rddreg [dreg:$0x8];
	[sflag:s12] =	ssyncadd.s32 $0xFFFF4000  }
0x1b7: {  	[hbm4b:s0+s3] =	stream.linear.scatter [tilespmem:s9], [sflag:$0x2], $0xC000, $0x38;
	[tilespmem:$0x18400] =	vst v63  }
0x1b8: {  	_ =	swait.ge [sflag:s13], $0xC000  }
0x1b9: {  	[sflag:s13] =	ssyncset.done $0x0  }
0x1ba: {  	[sflag:s13] =	ssyncadd.s32 $0xFFFF4000  }
0x1bb: {  	v3 =	vld [tilespmem:$0x140];
	_ =	sdelay $0x4  }
0x1bc: {  	v52 =	vshrl.u32 v3, $0x3  }
0x1bd: {  	v4 =	vmul.u32 $0x30, v52  }
0x1be: {  	v3 =	vand.u32 $0x7, v3  }
0x1bf: {  	v3 =	vor.u32 v3, v4  }
0x1c0: {  	v4 =	vperm.xlane v3, v0;
	_ =	sdelay $0x1  }
0x1c1: {  	v4 =	vadd.s32 v1, v4;
	_ =	sdelay $0x3  }
0x1c2: {  	v3 =	vperm.xlane v3, v2  }
0x1c3: {  	[tilespmem:s9], [sflag:$0x1] =	stream.indirect_vreg.gather [hbm4b:s1+s3], $0x80, v4, vm0, $0xb8;
	[tilespmem:$0x18400] =	vst v63  }
0x1c4: {  	s15 =	simm.s32 $0xCA00;
	v3 =	vadd.s32 v1, v3  }
0x1c5: {  	[tilespmem:s15], [sflag:$0x1] =	stream.indirect_vreg.gather [hbm4b:s6+s3], $0x80, v4, vm0, $0xb8;
	[tilespmem:$0x18400] =	vst v63  }
0x1c6: {  	_ = 	snop  }
0x1c7: {  	[tilespmem:s16], [sflag:$0x1] =	stream.indirect_vreg.gather [hbm4b:s7+s3], $0x80, v4, vm0, $0xb8;
	[tilespmem:$0x18400] =	vst v63  }
0x1c8: {  	_ = 	snop  }
0x1c9: {  	[tilespmem:s17], [sflag:$0x1] =	stream.indirect_vreg.gather [hbm4b:s1+s3], $0x80, v3, vm0, $0xb8;
	[tilespmem:$0x18400] =	vst v63  }
0x1ca: {  	_ = 	snop  }
0x1cb: {  	[tilespmem:s18], [sflag:$0x1] =	stream.indirect_vreg.gather [hbm4b:s6+s3], $0x80, v3, vm0, $0xb8;
	[tilespmem:$0x18400] =	vst v63  }
0x1cc: {  	s0 =	simm.s32 $0xEA00  }
0x1cd: {  	[tilespmem:s0], [sflag:$0x1] =	stream.indirect_vreg.gather [hbm4b:s7+s3], $0x80, v3, vm0, $0xb8;
	[tilespmem:$0x18400] =	vst v63  }
0x1ce: {  	v3 =	vld [tilespmem:$0x150];
	_ =	sdelay $0x4  }
0x1cf: {  	v53 =	vshrl.u32 v3, $0x3  }
0x1d0: {  	v4 =	vmul.u32 $0x30, v53  }
0x1d1: {  	v3 =	vand.u32 $0x7, v3  }
0x1d2: {  	v3 =	vor.u32 v3, v4  }
0x1d3: {  	v4 =	vperm.xlane v3, v0;
	_ =	sdelay $0x1  }
0x1d4: {  	v4 =	vadd.s32 v1, v4;
	_ =	sdelay $0x3  }
0x1d5: {  	s15 =	simm.s32 $0xF200;
	v3 =	vperm.xlane v3, v2  }
0x1d6: {  	[tilespmem:s15], [sflag:$0x1] =	stream.indirect_vreg.gather [hbm4b:s1+s3], $0x80, v4, vm0, $0xb8;
	[tilespmem:$0x18400] =	vst v63  }
0x1d7: {  	v3 =	vadd.s32 v1, v3  }
0x1d8: {  	[tilespmem:s2], [sflag:$0x1] =	stream.indirect_vreg.gather [hbm4b:s6+s3], $0x80, v4, vm0, $0xb8;
	[tilespmem:$0x18400] =	vst v63  }
0x1d9: {  	_ = 	snop  }
0x1da: {  	[tilespmem:s4], [sflag:$0x1] =	stream.indirect_vreg.gather [hbm4b:s7+s3], $0x80, v4, vm0, $0xb8;
	[tilespmem:$0x18400] =	vst v63  }
0x1db: {  	_ = 	snop  }
0x1dc: {  	[tilespmem:s5], [sflag:$0x1] =	stream.indirect_vreg.gather [hbm4b:s1+s3], $0x80, v3, vm0, $0xb8;
	[tilespmem:$0x18400] =	vst v63  }
0x1dd: {  	_ = 	snop  }
0x1de: {  	[tilespmem:s11], [sflag:$0x1] =	stream.indirect_vreg.gather [hbm4b:s6+s3], $0x80, v3, vm0, $0xb8;
	[tilespmem:$0x18400] =	vst v63  }
0x1df: {  	s2 =	simm.s32 $0x11A00  }
0x1e0: {  	[tilespmem:s2], [sflag:$0x1] =	stream.indirect_vreg.gather [hbm4b:s7+s3], $0x80, v3, vm0, $0xb8;
	[tilespmem:$0x18400] =	vst v63  }
0x1e1: {  	v3 =	vld [tilespmem:$0x160];
	_ =	sdelay $0x4  }
0x1e2: {  	v54 =	vshrl.u32 v3, $0x3  }
0x1e3: {  	v4 =	vmul.u32 $0x30, v54  }
0x1e4: {  	v3 =	vand.u32 $0x7, v3  }
0x1e5: {  	v3 =	vor.u32 v3, v4  }
0x1e6: {  	v4 =	vperm.xlane v3, v0;
	_ =	sdelay $0x1  }
0x1e7: {  	v4 =	vadd.s32 v1, v4;
	_ =	sdelay $0x3  }
0x1e8: {  	s2 =	simm.s32 $0x12200;
	v3 =	vperm.xlane v3, v2  }
0x1e9: {  	[tilespmem:s2], [sflag:$0x1] =	stream.indirect_vreg.gather [hbm4b:s1+s3], $0x80, v4, vm0, $0xb8;
	[tilespmem:$0x18400] =	vst v63  }
0x1ea: {  	v3 =	vadd.s32 v1, v3  }
0x1eb: {  	[tilespmem:s19], [sflag:$0x1] =	stream.indirect_vreg.gather [hbm4b:s6+s3], $0x80, v4, vm0, $0xb8;
	[tilespmem:$0x18400] =	vst v63  }
0x1ec: {  	_ = 	snop  }
0x1ed: {  	[tilespmem:s20], [sflag:$0x1] =	stream.indirect_vreg.gather [hbm4b:s7+s3], $0x80, v4, vm0, $0xb8;
	[tilespmem:$0x18400] =	vst v63  }
0x1ee: {  	_ = 	snop  }
0x1ef: {  	[tilespmem:s21], [sflag:$0x1] =	stream.indirect_vreg.gather [hbm4b:s1+s3], $0x80, v3, vm0, $0xb8;
	[tilespmem:$0x18400] =	vst v63  }
0x1f0: {  	_ = 	snop  }
0x1f1: {  	[tilespmem:s22], [sflag:$0x1] =	stream.indirect_vreg.gather [hbm4b:s6+s3], $0x80, v3, vm0, $0xb8;
	[tilespmem:$0x18400] =	vst v63  }
0x1f2: {  	s2 =	simm.s32 $0x14A00  }
0x1f3: {  	[tilespmem:s2], [sflag:$0x1] =	stream.indirect_vreg.gather [hbm4b:s7+s3], $0x80, v3, vm0, $0xb8;
	[tilespmem:$0x18400] =	vst v63  }
0x1f4: {  	v3 =	vld [tilespmem:$0x170];
	_ =	sdelay $0x4  }
0x1f5: {  	v55 =	vshrl.u32 v3, $0x3  }
0x1f6: {  	v4 =	vmul.u32 $0x30, v55  }
0x1f7: {  	v3 =	vand.u32 $0x7, v3  }
0x1f8: {  	v3 =	vor.u32 v3, v4  }
0x1f9: {  	v4 =	vperm.xlane v3, v0;
	_ =	sdelay $0x1  }
0x1fa: {  	v4 =	vadd.s32 v1, v4;
	_ =	sdelay $0x3  }
0x1fb: {  	s2 =	simm.s32 $0x15200;
	v3 =	vperm.xlane v3, v2  }
0x1fc: {  	[tilespmem:s2], [sflag:$0x1] =	stream.indirect_vreg.gather [hbm4b:s1+s3], $0x80, v4, vm0, $0xb8;
	[tilespmem:$0x18400] =	vst v63  }
0x1fd: {  	v3 =	vadd.s32 v1, v3  }
0x1fe: {  	[tilespmem:s23], [sflag:$0x1] =	stream.indirect_vreg.gather [hbm4b:s6+s3], $0x80, v4, vm0, $0xb8;
	[tilespmem:$0x18400] =	vst v63  }
0x1ff: {  	_ = 	snop  }
0x200: {  	[tilespmem:s24], [sflag:$0x1] =	stream.indirect_vreg.gather [hbm4b:s7+s3], $0x80, v4, vm0, $0xb8;
	[tilespmem:$0x18400] =	vst v63  }
0x201: {  	_ = 	snop  }
0x202: {  	[tilespmem:s25], [sflag:$0x1] =	stream.indirect_vreg.gather [hbm4b:s1+s3], $0x80, v3, vm0, $0xb8;
	[tilespmem:$0x18400] =	vst v63  }
0x203: {  	_ = 	snop  }
0x204: {  	[tilespmem:s26], [sflag:$0x1] =	stream.indirect_vreg.gather [hbm4b:s6+s3], $0x80, v3, vm0, $0xb8;
	[tilespmem:$0x18400] =	vst v63  }
0x205: {  	_ = 	snop  }
0x206: {  	[tilespmem:s28], [sflag:$0x1] =	stream.indirect_vreg.gather [hbm4b:s7+s3], $0x80, v3, vm0, $0xb8;
	[tilespmem:$0x18400] =	vst v63  }
0x207: {  	_ =	swait.ge [sflag:s12], $0xC000  }
0x208: {  	[sflag:s12] =	ssyncset.done $0x0  }
0x209: {  	s2 =	simm.s32 $0x200;
	s15 =	rddreg [dreg:$0x9];
	[sflag:s12] =	ssyncadd.s32 $0xFFFF4000  }
0x20a: {  	[hbm4b:s15+s3] =	stream.linear.scatter [tilespmem:s2], [sflag:$0x2], $0xC000, $0x38;
	[tilespmem:$0x18400] =	vst v63  }
0x20b: {  	_ =	swait.ge [sflag:s13], $0xC000  }
0x20c: {  	[sflag:s13] =	ssyncset.done $0x0  }
0x20d: {  	[sflag:s13] =	ssyncadd.s32 $0xFFFF4000  }
0x20e: {  	v3 =	vld [tilespmem:$0x180];
	_ =	sdelay $0x4  }
0x20f: {  	v56 =	vshrl.u32 v3, $0x3  }
0x210: {  	v4 =	vmul.u32 $0x30, v56  }
0x211: {  	v3 =	vand.u32 $0x7, v3  }
0x212: {  	v3 =	vor.u32 v3, v4  }
0x213: {  	v4 =	vperm.xlane v3, v0;
	_ =	sdelay $0x1  }
0x214: {  	v4 =	vadd.s32 v1, v4;
	_ =	sdelay $0x3  }
0x215: {  	v3 =	vperm.xlane v3, v2  }
0x216: {  	[tilespmem:s2], [sflag:$0x1] =	stream.indirect_vreg.gather [hbm4b:s1+s3], $0x80, v4, vm0, $0xb8;
	[tilespmem:$0x18400] =	vst v63  }
0x217: {  	s15 =	simm.s32 $0xA00;
	v3 =	vadd.s32 v1, v3  }
0x218: {  	[tilespmem:s15], [sflag:$0x1] =	stream.indirect_vreg.gather [hbm4b:s6+s3], $0x80, v4, vm0, $0xb8;
	[tilespmem:$0x18400] =	vst v63  }
0x219: {  	s15 =	simm.s32 $0x1200  }
0x21a: {  	[tilespmem:s15], [sflag:$0x1] =	stream.indirect_vreg.gather [hbm4b:s7+s3], $0x80, v4, vm0, $0xb8;
	[tilespmem:$0x18400] =	vst v63  }
0x21b: {  	s15 =	simm.s32 $0x1A00  }
0x21c: {  	[tilespmem:s15], [sflag:$0x1] =	stream.indirect_vreg.gather [hbm4b:s1+s3], $0x80, v3, vm0, $0xb8;
	[tilespmem:$0x18400] =	vst v63  }
0x21d: {  	s15 =	simm.s32 $0x2200  }
0x21e: {  	[tilespmem:s15], [sflag:$0x1] =	stream.indirect_vreg.gather [hbm4b:s6+s3], $0x80, v3, vm0, $0xb8;
	[tilespmem:$0x18400] =	vst v63  }
0x21f: {  	s15 =	simm.s32 $0x2A00  }
0x220: {  	[tilespmem:s15], [sflag:$0x1] =	stream.indirect_vreg.gather [hbm4b:s7+s3], $0x80, v3, vm0, $0xb8;
	[tilespmem:$0x18400] =	vst v63  }
0x221: {  	v3 =	vld [tilespmem:$0x190];
	_ =	sdelay $0x4  }
0x222: {  	v57 =	vshrl.u32 v3, $0x3  }
0x223: {  	v4 =	vmul.u32 $0x30, v57  }
0x224: {  	v3 =	vand.u32 $0x7, v3  }
0x225: {  	v3 =	vor.u32 v3, v4  }
0x226: {  	v4 =	vperm.xlane v3, v0;
	_ =	sdelay $0x1  }
0x227: {  	v4 =	vadd.s32 v1, v4;
	_ =	sdelay $0x3  }
0x228: {  	s15 =	simm.s32 $0x3200;
	v3 =	vperm.xlane v3, v2  }
0x229: {  	[tilespmem:s15], [sflag:$0x1] =	stream.indirect_vreg.gather [hbm4b:s1+s3], $0x80, v4, vm0, $0xb8;
	[tilespmem:$0x18400] =	vst v63  }
0x22a: {  	v3 =	vadd.s32 v1, v3;
	s15 =	simm.s32 $0x3A00  }
0x22b: {  	[tilespmem:s15], [sflag:$0x1] =	stream.indirect_vreg.gather [hbm4b:s6+s3], $0x80, v4, vm0, $0xb8;
	[tilespmem:$0x18400] =	vst v63  }
0x22c: {  	s15 =	simm.s32 $0x4200  }
0x22d: {  	[tilespmem:s15], [sflag:$0x1] =	stream.indirect_vreg.gather [hbm4b:s7+s3], $0x80, v4, vm0, $0xb8;
	[tilespmem:$0x18400] =	vst v63  }
0x22e: {  	s15 =	simm.s32 $0x4A00  }
0x22f: {  	[tilespmem:s15], [sflag:$0x1] =	stream.indirect_vreg.gather [hbm4b:s1+s3], $0x80, v3, vm0, $0xb8;
	[tilespmem:$0x18400] =	vst v63  }
0x230: {  	s29 =	simm.s32 $0x5200  }
0x231: {  	[tilespmem:s29], [sflag:$0x1] =	stream.indirect_vreg.gather [hbm4b:s6+s3], $0x80, v3, vm0, $0xb8;
	[tilespmem:$0x18400] =	vst v63  }
0x232: {  	s29 =	simm.s32 $0x5A00  }
0x233: {  	[tilespmem:s29], [sflag:$0x1] =	stream.indirect_vreg.gather [hbm4b:s7+s3], $0x80, v3, vm0, $0xb8;
	[tilespmem:$0x18400] =	vst v63  }
0x234: {  	v3 =	vld [tilespmem:$0x1A0];
	_ =	sdelay $0x4  }
0x235: {  	v58 =	vshrl.u32 v3, $0x3  }
0x236: {  	v4 =	vmul.u32 $0x30, v58  }
0x237: {  	v3 =	vand.u32 $0x7, v3  }
0x238: {  	v3 =	vor.u32 v3, v4  }
0x239: {  	v4 =	vperm.xlane v3, v0;
	_ =	sdelay $0x1  }
0x23a: {  	v4 =	vadd.s32 v1, v4;
	_ =	sdelay $0x3  }
0x23b: {  	s29 =	simm.s32 $0x6200;
	v3 =	vperm.xlane v3, v2  }
0x23c: {  	[tilespmem:s29], [sflag:$0x1] =	stream.indirect_vreg.gather [hbm4b:s1+s3], $0x80, v4, vm0, $0xb8;
	[tilespmem:$0x18400] =	vst v63  }
0x23d: {  	s30 =	simm.s32 $0x6A00;
	v3 =	vadd.s32 v1, v3  }
0x23e: {  	[tilespmem:s30], [sflag:$0x1] =	stream.indirect_vreg.gather [hbm4b:s6+s3], $0x80, v4, vm0, $0xb8;
	[tilespmem:$0x18400] =	vst v63  }
0x23f: {  	s31 =	simm.s32 $0x7200  }
0x240: {  	[tilespmem:s31], [sflag:$0x1] =	stream.indirect_vreg.gather [hbm4b:s7+s3], $0x80, v4, vm0, $0xb8;
	[tilespmem:$0x18400] =	vst v63  }
0x241: {  	s10 =	simm.s32 $0x7A00  }
0x242: {  	[tilespmem:s10], [sflag:$0x1] =	stream.indirect_vreg.gather [hbm4b:s1+s3], $0x80, v3, vm0, $0xb8;
	[tilespmem:$0x18400] =	vst v63  }
0x243: {  	s30 =	simm.s32 $0x8200  }
0x244: {  	[tilespmem:s30], [sflag:$0x1] =	stream.indirect_vreg.gather [hbm4b:s6+s3], $0x80, v3, vm0, $0xb8;
	[tilespmem:$0x18400] =	vst v63  }
0x245: {  	s31 =	simm.s32 $0x8A00  }
0x246: {  	[tilespmem:s31], [sflag:$0x1] =	stream.indirect_vreg.gather [hbm4b:s7+s3], $0x80, v3, vm0, $0xb8;
	[tilespmem:$0x18400] =	vst v63  }
0x247: {  	v3 =	vld [tilespmem:$0x1B0];
	_ =	sdelay $0x4  }
0x248: {  	v59 =	vshrl.u32 v3, $0x3  }
0x249: {  	v4 =	vmul.u32 $0x30, v59  }
0x24a: {  	v3 =	vand.u32 $0x7, v3  }
0x24b: {  	v3 =	vor.u32 v3, v4  }
0x24c: {  	v4 =	vperm.xlane v3, v0;
	_ =	sdelay $0x1  }
0x24d: {  	v4 =	vadd.s32 v1, v4;
	_ =	sdelay $0x3  }
0x24e: {  	s15 =	simm.s32 $0x9200;
	v3 =	vperm.xlane v3, v2  }
0x24f: {  	[tilespmem:s15], [sflag:$0x1] =	stream.indirect_vreg.gather [hbm4b:s1+s3], $0x80, v4, vm0, $0xb8;
	[tilespmem:$0x18400] =	vst v63  }
0x250: {  	s29 =	simm.s32 $0x9A00;
	v3 =	vadd.s32 v1, v3  }
0x251: {  	[tilespmem:s29], [sflag:$0x1] =	stream.indirect_vreg.gather [hbm4b:s6+s3], $0x80, v4, vm0, $0xb8;
	[tilespmem:$0x18400] =	vst v63  }
0x252: {  	s30 =	simm.s32 $0xA200  }
0x253: {  	[tilespmem:s30], [sflag:$0x1] =	stream.indirect_vreg.gather [hbm4b:s7+s3], $0x80, v4, vm0, $0xb8;
	[tilespmem:$0x18400] =	vst v63  }
0x254: {  	s31 =	simm.s32 $0xAA00  }
0x255: {  	[tilespmem:s31], [sflag:$0x1] =	stream.indirect_vreg.gather [hbm4b:s1+s3], $0x80, v3, vm0, $0xb8;
	[tilespmem:$0x18400] =	vst v63  }
0x256: {  	s15 =	simm.s32 $0xB200  }
0x257: {  	[tilespmem:s15], [sflag:$0x1] =	stream.indirect_vreg.gather [hbm4b:s6+s3], $0x80, v3, vm0, $0xb8;
	[tilespmem:$0x18400] =	vst v63  }
0x258: {  	s29 =	simm.s32 $0xBA00  }
0x259: {  	[tilespmem:s29], [sflag:$0x1] =	stream.indirect_vreg.gather [hbm4b:s7+s3], $0x80, v3, vm0, $0xb8;
	[tilespmem:$0x18400] =	vst v63  }
0x25a: {  	_ =	swait.ge [sflag:s12], $0xC000  }
0x25b: {  	[sflag:s12] =	ssyncset.done $0x0  }
0x25c: {  	s9 =	simm.s32 $0xC200;
	s30 =	rddreg [dreg:$0xa];
	[sflag:s12] =	ssyncadd.s32 $0xFFFF4000  }
0x25d: {  	[hbm4b:s30+s3] =	stream.linear.scatter [tilespmem:s9], [sflag:$0x2], $0xC000, $0x38;
	[tilespmem:$0x18400] =	vst v63  }
0x25e: {  	_ =	swait.ge [sflag:s13], $0xC000  }
0x25f: {  	[sflag:s13] =	ssyncset.done $0x0  }
0x260: {  	[sflag:s13] =	ssyncadd.s32 $0xFFFF4000  }
0x261: {  	v3 =	vld [tilespmem:$0x1C0];
	_ =	sdelay $0x4  }
0x262: {  	v60 =	vshrl.u32 v3, $0x3  }
0x263: {  	v4 =	vmul.u32 $0x30, v60  }
0x264: {  	v3 =	vand.u32 $0x7, v3  }
0x265: {  	v3 =	vor.u32 v3, v4  }
0x266: {  	v4 =	vperm.xlane v3, v0;
	_ =	sdelay $0x1  }
0x267: {  	v4 =	vadd.s32 v1, v4;
	_ =	sdelay $0x3  }
0x268: {  	v3 =	vperm.xlane v3, v2  }
0x269: {  	[tilespmem:s9], [sflag:$0x1] =	stream.indirect_vreg.gather [hbm4b:s1+s3], $0x80, v4, vm0, $0xb8;
	[tilespmem:$0x18400] =	vst v63  }
0x26a: {  	s31 =	simm.s32 $0xCA00;
	v3 =	vadd.s32 v1, v3  }
0x26b: {  	[tilespmem:s31], [sflag:$0x1] =	stream.indirect_vreg.gather [hbm4b:s6+s3], $0x80, v4, vm0, $0xb8;
	[tilespmem:$0x18400] =	vst v63  }
0x26c: {  	s16 =	simm.s32 $0xD200  }
0x26d: {  	[tilespmem:s16], [sflag:$0x1] =	stream.indirect_vreg.gather [hbm4b:s7+s3], $0x80, v4, vm0, $0xb8;
	[tilespmem:$0x18400] =	vst v63  }
0x26e: {  	s17 =	simm.s32 $0xDA00  }
0x26f: {  	[tilespmem:s17], [sflag:$0x1] =	stream.indirect_vreg.gather [hbm4b:s1+s3], $0x80, v3, vm0, $0xb8;
	[tilespmem:$0x18400] =	vst v63  }
0x270: {  	s18 =	simm.s32 $0xE200  }
0x271: {  	[tilespmem:s18], [sflag:$0x1] =	stream.indirect_vreg.gather [hbm4b:s6+s3], $0x80, v3, vm0, $0xb8;
	[tilespmem:$0x18400] =	vst v63  }
0x272: {  	_ = 	snop  }
0x273: {  	[tilespmem:s0], [sflag:$0x1] =	stream.indirect_vreg.gather [hbm4b:s7+s3], $0x80, v3, vm0, $0xb8;
	[tilespmem:$0x18400] =	vst v63  }
0x274: {  	v3 =	vld [tilespmem:$0x1D0];
	_ =	sdelay $0x4  }
0x275: {  	v61 =	vshrl.u32 v3, $0x3  }
0x276: {  	v4 =	vmul.u32 $0x30, v61  }
0x277: {  	v3 =	vand.u32 $0x7, v3  }
0x278: {  	v3 =	vor.u32 v3, v4  }
0x279: {  	v4 =	vperm.xlane v3, v0;
	_ =	sdelay $0x1  }
0x27a: {  	v4 =	vadd.s32 v1, v4;
	_ =	sdelay $0x3  }
0x27b: {  	s15 =	simm.s32 $0xF200;
	v3 =	vperm.xlane v3, v2  }
0x27c: {  	[tilespmem:s15], [sflag:$0x1] =	stream.indirect_vreg.gather [hbm4b:s1+s3], $0x80, v4, vm0, $0xb8;
	[tilespmem:$0x18400] =	vst v63  }
0x27d: {  	s16 =	simm.s32 $0xFA00;
	v3 =	vadd.s32 v1, v3  }
0x27e: {  	[tilespmem:s16], [sflag:$0x1] =	stream.indirect_vreg.gather [hbm4b:s6+s3], $0x80, v4, vm0, $0xb8;
	[tilespmem:$0x18400] =	vst v63  }
0x27f: {  	s4 =	simm.s32 $0x10200  }
0x280: {  	[tilespmem:s4], [sflag:$0x1] =	stream.indirect_vreg.gather [hbm4b:s7+s3], $0x80, v4, vm0, $0xb8;
	[tilespmem:$0x18400] =	vst v63  }
0x281: {  	s5 =	simm.s32 $0x10A00  }
0x282: {  	[tilespmem:s5], [sflag:$0x1] =	stream.indirect_vreg.gather [hbm4b:s1+s3], $0x80, v3, vm0, $0xb8;
	[tilespmem:$0x18400] =	vst v63  }
0x283: {  	s11 =	simm.s32 $0x11200  }
0x284: {  	[tilespmem:s11], [sflag:$0x1] =	stream.indirect_vreg.gather [hbm4b:s6+s3], $0x80, v3, vm0, $0xb8;
	[tilespmem:$0x18400] =	vst v63  }
0x285: {  	s17 =	simm.s32 $0x11A00  }
0x286: {  	[tilespmem:s17], [sflag:$0x1] =	stream.indirect_vreg.gather [hbm4b:s7+s3], $0x80, v3, vm0, $0xb8;
	[tilespmem:$0x18400] =	vst v63  }
0x287: {  	v3 =	vld [tilespmem:$0x1E0];
	_ =	sdelay $0x4  }
0x288: {  	v62 =	vshrl.u32 v3, $0x3  }
0x289: {  	v4 =	vmul.u32 $0x30, v62  }
0x28a: {  	v3 =	vand.u32 $0x7, v3  }
0x28b: {  	v3 =	vor.u32 v3, v4  }
0x28c: {  	v4 =	vperm.xlane v3, v0;
	_ =	sdelay $0x1  }
0x28d: {  	v4 =	vadd.s32 v1, v4;
	_ =	sdelay $0x3  }
0x28e: {  	s18 =	simm.s32 $0x12200;
	v3 =	vperm.xlane v3, v2  }
0x28f: {  	[tilespmem:s18], [sflag:$0x1] =	stream.indirect_vreg.gather [hbm4b:s1+s3], $0x80, v4, vm0, $0xb8;
	[tilespmem:$0x18400] =	vst v63  }
0x290: {  	s19 =	simm.s32 $0x12A00;
	v3 =	vadd.s32 v1, v3  }
0x291: {  	[tilespmem:s19], [sflag:$0x1] =	stream.indirect_vreg.gather [hbm4b:s6+s3], $0x80, v4, vm0, $0xb8;
	[tilespmem:$0x18400] =	vst v63  }
0x292: {  	s20 =	simm.s32 $0x13200  }
0x293: {  	[tilespmem:s20], [sflag:$0x1] =	stream.indirect_vreg.gather [hbm4b:s7+s3], $0x80, v4, vm0, $0xb8;
	[tilespmem:$0x18400] =	vst v63  }
0x294: {  	s21 =	simm.s32 $0x13A00  }
0x295: {  	[tilespmem:s21], [sflag:$0x1] =	stream.indirect_vreg.gather [hbm4b:s1+s3], $0x80, v3, vm0, $0xb8;
	[tilespmem:$0x18400] =	vst v63  }
0x296: {  	s22 =	simm.s32 $0x14200  }
0x297: {  	[tilespmem:s22], [sflag:$0x1] =	stream.indirect_vreg.gather [hbm4b:s6+s3], $0x80, v3, vm0, $0xb8;
	[tilespmem:$0x18400] =	vst v63  }
0x298: {  	s21 =	simm.s32 $0x14A00  }
0x299: {  	[tilespmem:s21], [sflag:$0x1] =	stream.indirect_vreg.gather [hbm4b:s7+s3], $0x80, v3, vm0, $0xb8;
	[tilespmem:$0x18400] =	vst v63  }
0x29a: {  	v3 =	vld [tilespmem:$0x1F0];
	_ =	sdelay $0x4  }
0x29b: {  	v63 =	vshrl.u32 v3, $0x3  }
0x29c: {  	v4 =	vmul.u32 $0x30, v63  }
0x29d: {  	v3 =	vand.u32 $0x7, v3  }
0x29e: {  	v3 =	vor.u32 v3, v4  }
0x29f: {  	v4 =	vperm.xlane v3, v0;
	_ =	sdelay $0x1  }
0x2a0: {  	v4 =	vadd.s32 v1, v4;
	_ =	sdelay $0x3  }
0x2a1: {  	s22 =	simm.s32 $0x15200;
	v3 =	vperm.xlane v3, v2  }
0x2a2: {  	[tilespmem:s22], [sflag:$0x1] =	stream.indirect_vreg.gather [hbm4b:s1+s3], $0x80, v4, vm0, $0xb8;
	[tilespmem:$0x18400] =	vst v63  }
0x2a3: {  	s23 =	simm.s32 $0x15A00;
	v3 =	vadd.s32 v1, v3  }
0x2a4: {  	[tilespmem:s23], [sflag:$0x1] =	stream.indirect_vreg.gather [hbm4b:s6+s3], $0x80, v4, vm0, $0xb8;
	[tilespmem:$0x18400] =	vst v63  }
0x2a5: {  	s24 =	simm.s32 $0x16200  }
0x2a6: {  	[tilespmem:s24], [sflag:$0x1] =	stream.indirect_vreg.gather [hbm4b:s7+s3], $0x80, v4, vm0, $0xb8;
	[tilespmem:$0x18400] =	vst v63  }
0x2a7: {  	s25 =	simm.s32 $0x16A00  }
0x2a8: {  	[tilespmem:s25], [sflag:$0x1] =	stream.indirect_vreg.gather [hbm4b:s1+s3], $0x80, v3, vm0, $0xb8;
	[tilespmem:$0x18400] =	vst v63  }
0x2a9: {  	s26 =	simm.s32 $0x17200  }
0x2aa: {  	[tilespmem:s26], [sflag:$0x1] =	stream.indirect_vreg.gather [hbm4b:s6+s3], $0x80, v3, vm0, $0xb8;
	[tilespmem:$0x18400] =	vst v63  }
0x2ab: {  	s28 =	simm.s32 $0x17A00  }
0x2ac: {  	[tilespmem:s28], [sflag:$0x1] =	stream.indirect_vreg.gather [hbm4b:s7+s3], $0x80, v3, vm0, $0xb8;
	[tilespmem:$0x18400] =	vst v63  }
0x2ad: {  	_ =	swait.ge [sflag:s12], $0xC000  }
0x2ae: {  	[sflag:s12] =	ssyncset.done $0x0  }
0x2af: {  	s2 =	simm.s32 $0x200;
	s28 =	rddreg [dreg:$0xb];
	[sflag:s12] =	ssyncadd.s32 $0xFFFF4000  }
0x2b0: {  	[hbm4b:s28+s3] =	stream.linear.scatter [tilespmem:s2], [sflag:$0x2], $0xC000, $0x38;
	[tilespmem:$0x18400] =	vst v63  }
0x2b1: {  	_ =	swait.ge [sflag:s12], $0xC000  }
0x2b2: {  	[sflag:s12] =	ssyncset.done $0x0  }
0x2b3: {  	s29 =	rddreg [dreg:$0xc];
	[sflag:s12] =	ssyncadd.s32 $0xFFFF4000  }
0x2b4: {  	[hbm4b:s29+s3] =	stream.linear.scatter [tilespmem:s9], [sflag:$0x2], $0xC000, $0x38;
	[tilespmem:$0x18400] =	vst v63  }
0x2b5: {  	_ =	swait.ge [sflag:s14], $0x80  }
0x2b6: {  	[sflag:s14] =	ssyncset.done $0x0  }
0x2b7: {  	[sflag:s14] =	ssyncadd.s32 $0xFFFFFF80  }
0x2b8: {  	_ =	swait.ge [sflag:s14], $0x80  }
0x2b9: {  	[sflag:s14] =	ssyncset.done $0x0  }
0x2ba: {  	[sflag:s14] =	ssyncadd.s32 $0xFFFFFF80  }
0x2bb: {  	_ =	swait.ge [sflag:s14], $0x80  }
0x2bc: {  	[sflag:s14] =	ssyncset.done $0x0  }
0x2bd: {  	[sflag:s14] =	ssyncadd.s32 $0xFFFFFF80  }
0x2be: {  	_ =	swait.ge [sflag:s14], $0x80  }
0x2bf: {  	[sflag:s14] =	ssyncset.done $0x0  }
0x2c0: {  	s31 =	simm.s32 $0x18200;
	s30 =	rddreg [dreg:$0xd];
	[sflag:s14] =	ssyncadd.s32 $0xFFFFFF80  }
0x2c1: {  	[hbm4b:s30+s3] =	stream.linear.scatter [tilespmem:s31], [sflag:$0x3], $0x200, $0x38;
	[tilespmem:$0x18400] =	vst v63  }
0x2c2: {  	_ =	swait.ge [sflag:s13], $0xC000  }
0x2c3: {  	[sflag:s13] =	ssyncset.done $0x0  }
0x2c4: {  	[sflag:s13] =	ssyncadd.s32 $0xFFFF4000  }
0x2c5: {  	p0 =	sne.s32 s8, $0x1;
	_ =	swait.ge [sflag:s13], $0xC000  }
.Ltmp0:
0x2c6: {  	[sflag:s13] =	ssyncset.done $0x0;
	(pc) =	sbr.rel @p0 .LBB2_1-.Ltmp0, $4  }
0x2c7: {  	[sflag:s13] =	ssyncadd.s32 $0xFFFF4000  }
0x2c8: {  	_ =	swait.ge [sflag:s14], $0x200  }
0x2c9: {  	[sflag:s14] =	ssyncset.done $0x0  }
0x2ca: {  	s8 =	sadd.s32 $0xFFFFFFFF, s8;
	[sflag:s14] =	ssyncadd.s32 $0xFFFFFE00  }
0x2cb: {  	_ =	sfence.sel $0x180000  }
0x2cc: {  	[bflag:$0x0] =	sbarrier.arrive $0xFFFF  }
0x2cd: {  	_ =	strace $0x90000047  }
0x2ce: {  	s0 =	stileid.u32;
	[bflag:$0x2] =	sbarrier.arrive $0xFFFF  }
0x2cf: {  	p0 =	sne.s32 s0, $0x0;
	s0 =	rddreg [dreg:$0x4]  }
0x2d0: {  	s0 =	sadd.s32 @!p0 $0x100000, s0  }
0x2d1: {  	[sflag:s0] =	ssyncadd.tile.s32 @!p0 $0x1;
	_ =	shalt  }
.Lfunc_end2:
_tile_overlayer_lowered:
.L_overlay_start_2:
0x2d2: {  	(tag) =	ssettag $0x2  }
0x2d3: {  	s0 =	rddreg [dreg:$0x0];
	s2 =	stileid.u32  }
0x2d4: {  	s1 =	rddreg [dreg:$0x1];
	p0 =	sne.s32 s2, $0x0  }
0x2d5: {  	s3 =	rddreg [dreg:$0x2];
	[bflag:$0x3] =	sbarrier.arrive $0xFFFF;
	s2 =	simm.s32 @!p0 $0x1C04  }
0x2d6: {  	[timem:s3], [sflag:s2] =	dma.local @!p0 [hbm:s0], s1  }
0x2d7: {  	s0 =	simm.s32 @!p0 $0x4  }
0x2d8: {  	_ =	swait.ge @!p0 [sflag:s0], s1  }
0x2d9: {  	s1 =	ssub.s32 @!p0 $0x0, s1;
	[sflag:s0] =	ssyncset.done @!p0 $0x0  }
0x2da: {  	[sflag:s0] =	ssyncadd.s32 @!p0 s1  }
0x2db: {  	[bflag:$0x3] =	sbarrier.arrive $0xFFFF  }
0x2dc: {  	_ =	shalt  }

</sc_bundles>
